<compile_context>
chip_gen: v7x
topology: tpu7x:2x2x1
jax: 0.10.2.dev20260603
libtpu: 0.0.44.dev20260713+nightly
codegen_flags: <defaults>
</compile_context>

<pallas_src>
import jax
import jax.numpy as jnp
from jax import lax
from jax.experimental import pallas as pl
from jax.experimental.pallas import tpu as pltpu
from jax.experimental.pallas import tpu_sc as plsc

V = 1000
VP = 1024
H = 128
B = 1024
L = 50
N = B * L

NC = 2
NS = 16
NW = NC * NS
LANES = 16

K = L
NCHUNK = B // NW
NPAIR = NCHUNK // 2


def _tc_body(e_ref, w_ref, b_ref, m_ref):
    m = lax.dot_general(e_ref[...], w_ref[...], (((1,), (1,)), ((), ())),
                        preferred_element_type=jnp.float32)
    m = m + b_ref[...]
    cols = lax.broadcasted_iota(jnp.int32, (V, VP), 1)
    rows = lax.broadcasted_iota(jnp.int32, (V, VP), 0)
    valid = cols < V
    mm = jnp.where(valid, m, -jnp.inf)
    mx = jnp.max(mm, axis=1, keepdims=True)
    lse = mx[:, 0] + jnp.log(jnp.sum(jnp.exp(mm - mx), axis=1))
    diag = jnp.sum(jnp.where(rows == cols, m, 0.0), axis=1)
    c = lse - diag
    live = rows[:, 0] != 0
    cval = jnp.where(live, c, 0.0)[:, None]
    ival = jnp.where(live, 1.0, 0.0)[:, None]
    out = jnp.where(cols == V, cval, m)
    out = jnp.where(cols == V + 1, ival, out)
    m_ref[...] = out


CT = VP // 128


def _loss_rows(rs, acc):
    def row(r, a):
        return a + rs[r, pl.ds(V, LANES)]
    return lax.fori_loop(0, K, row, acc)


def _chunk_gathers(m2, idxb, rs, gsem):
    for ct in range(CT):
        pltpu.async_copy(m2.at[idxb.at[ct]], rs.at[:, pl.ds(128 * ct, 128)], gsem)


def _chunk_gather_waits(m2, idxb, rs, gsem):
    for ct in range(CT):
        pltpu.make_async_copy(m2.at[idxb.at[ct]], rs.at[:, pl.ds(128 * ct, 128)], gsem).wait()


def _sc_body(m2, idx4, outp, psum_o,
             i0, i1, rs0, rs1, psum_v, gi0, gi1, g0, g1, s0, s1):
    cid = lax.axis_index("c")
    sid = lax.axis_index("s")
    wid = sid * NC + cid
    b0 = wid * NCHUNK

    pltpu.async_copy(idx4.at[wid, 0], i0, gi0)
    pltpu.async_copy(idx4.at[wid, 1], i1, gi1)
    pltpu.async_copy(rs1, outp.at[b0 + NCHUNK - 1], s1)
    pltpu.make_async_copy(idx4.at[wid, 0], i0, gi0).wait()
    _chunk_gathers(m2, i0, rs0, g0)

    def pair(p, acc):
        c0 = 2 * p
        c1 = c0 + 1
        pltpu.make_async_copy(rs1, outp.at[b0 + c1], s1).wait()
        pltpu.make_async_copy(idx4.at[wid, c1], i1, gi1).wait()
        _chunk_gathers(m2, i1, rs1, g1)
        _chunk_gather_waits(m2, i0, rs0, g0)
        pltpu.async_copy(rs0, outp.at[b0 + c0], s0)
        acc = _loss_rows(rs0, acc)
        pltpu.async_copy(idx4.at[wid, jnp.minimum(c0 + 2, NCHUNK - 2)], i0, gi0)
        pltpu.make_async_copy(idx4.at[wid, c0], i0, gi0).wait()
        pltpu.make_async_copy(rs0, outp.at[b0 + c0], s0).wait()
        _chunk_gathers(m2, i0, rs0, g0)
        _chunk_gather_waits(m2, i1, rs1, g1)
        pltpu.async_copy(rs1, outp.at[b0 + c1], s1)
        acc = _loss_rows(rs1, acc)
        pltpu.async_copy(idx4.at[wid, jnp.minimum(c1 + 2, NCHUNK - 1)], i1, gi1)
        return acc

    acc = lax.fori_loop(0, NPAIR, pair, jnp.zeros((LANES,), jnp.float32))
    psum_v[...] = acc
    pltpu.sync_copy(psum_v, psum_o.at[wid])
    _chunk_gather_waits(m2, i0, rs0, g0)
    pltpu.make_async_copy(idx4.at[wid, 1], i1, gi1).wait()
    pltpu.make_async_copy(rs1, outp.at[b0 + 1], s1).wait()


@jax.jit
def kernel(input_ids, target_ids, embed, W, b):
    del input_ids
    tgt = target_ids.astype(jnp.int32)

    wp = jnp.concatenate([W, jnp.zeros((VP - V, H), jnp.float32)], axis=0)
    bp = jnp.concatenate([b, jnp.zeros((VP - V,), jnp.float32)])

    m = pl.pallas_call(
        _tc_body,
        out_shape=jax.ShapeDtypeStruct((V, VP), jnp.float32),
    )(embed, wp, bp.reshape(1, VP))

    m2 = m.reshape(V * CT, 128)
    idx4 = (tgt.reshape(NW, NCHUNK, 1, K) * CT
            + lax.broadcasted_iota(jnp.int32, (1, 1, CT, 1), 2))

    mesh = plsc.VectorSubcoreMesh(core_axis_name="c", subcore_axis_name="s",
                                  num_cores=NC, num_subcores=NS)
    outp, psum = pl.kernel(
        _sc_body,
        out_type=[
            jax.ShapeDtypeStruct((B, L, VP), jnp.float32),
            jax.ShapeDtypeStruct((NW, LANES), jnp.float32),
        ],
        mesh=mesh,
        scratch_types=[
            pltpu.VMEM((CT, K), jnp.int32),
            pltpu.VMEM((CT, K), jnp.int32),
            pltpu.VMEM((K, VP), jnp.float32),
            pltpu.VMEM((K, VP), jnp.float32),
            pltpu.VMEM((LANES,), jnp.float32),
            pltpu.SemaphoreType.DMA,
            pltpu.SemaphoreType.DMA,
            pltpu.SemaphoreType.DMA,
            pltpu.SemaphoreType.DMA,
            pltpu.SemaphoreType.DMA,
            pltpu.SemaphoreType.DMA,
        ],
    )(m2, idx4)

    logits = outp[:, :, :V]
    tot = jnp.sum(psum, axis=0)
    loss = tot[0] / jnp.maximum(tot[1], 1.0)
    return (logits, loss)

# --- scband reference (transcript-rebuilt; emitter-appended) ---
"""Pipeline reference for scband-condition-expert-36756330119409 (READ-ONLY COPY).

The authoritative reference and input builder live on the scoring server;
editing this copy changes nothing except your own understanding.
"""

import jax, jax.numpy as jnp
import numpy as np

VOCAB = 1000
HIDDEN = 128
B = 1024
L = 50

def setup_inputs(seed: int = 0) -> dict:
    key = jax.random.key(seed)
    k1, k2, k3, k4 = jax.random.split(key, 4)
    input_ids = jax.random.randint(k1, (B, L), 0, VOCAB, dtype=jnp.int64) if jax.config.jax_enable_x64 else jax.random.randint(k1, (B, L), 0, VOCAB).astype(jnp.int32)
    target_ids = jax.random.randint(k2, (B, L), 0, VOCAB).astype(input_ids.dtype)
    embed = (jax.random.normal(k3, (VOCAB, HIDDEN), dtype=jnp.float32) * 0.02)
    W = (jax.random.normal(k4, (VOCAB, HIDDEN), dtype=jnp.float32) * 0.02)  # torch Linear weight [out, in]
    b = jnp.zeros((VOCAB,), dtype=jnp.float32)
    return {"input_ids": input_ids, "target_ids": target_ids, "embed": embed, "W": W, "b": b}

def reference(input_ids, target_ids, embed, W, b):
    # x_tgt = self.embed(target_ids)
    x_tgt = jnp.take(embed, target_ids, axis=0)            # [B, L, H]
    # logits = self.decoder(x_tgt)
    logits = jnp.einsum('blh,vh->blv', x_tgt, W) + b        # [B, L, V]
    # cross_entropy with ignore_index=0, mean reduction over non-ignored
    logp = jax.nn.log_softmax(logits, axis=-1)
    flat_logp = logp.reshape(-1, logp.shape[-1])            # [B*L, V]
    flat_tgt = target_ids.reshape(-1)                       # [B*L]
    nll = -jnp.take_along_axis(flat_logp, flat_tgt[:, None], axis=1)[:, 0]
    mask = (flat_tgt != 0).astype(logits.dtype)
    loss = jnp.sum(nll * mask) / jnp.maximum(jnp.sum(mask), 1.0)
    return (logits, loss)

if __name__ == "__main__":
    import jax
    _d = setup_inputs()
    print(jax.jit(kernel)(*tuple(_d.values())))

</pallas_src>

<mosaic_0001>
#map = affine_map<(d0, d1) -> (0, 0)>
#map1 = affine_map<(d0, d1) -> (0, 0, 0, 0)>
#map2 = affine_map<(d0, d1) -> (0, 0, 0)>
module attributes {stable_mosaic.version = 14 : i64} {
  func.func @_sc_body(%arg0: i32, %arg1: i32, %arg2: memref<8000x128xf32, #tpu.memory_space<hbm>>, %arg3: memref<32x32x8x50xi32, #tpu.memory_space<hbm>>, %arg4: memref<1024x50x1024xf32, #tpu.memory_space<hbm>>, %arg5: memref<32x16xf32, #tpu.memory_space<hbm>>, %arg6: memref<8x50xi32, #tpu.memory_space<vmem>>, %arg7: memref<8x50xi32, #tpu.memory_space<vmem>>, %arg8: memref<50x1024xf32, #tpu.memory_space<vmem>>, %arg9: memref<50x1024xf32, #tpu.memory_space<vmem>>, %arg10: memref<16xf32, #tpu.memory_space<vmem>>, %arg11: memref<!tpu.dma_semaphore, #tpu.memory_space<semaphore_mem>>, %arg12: memref<!tpu.dma_semaphore, #tpu.memory_space<semaphore_mem>>, %arg13: memref<!tpu.dma_semaphore, #tpu.memory_space<semaphore_mem>>, %arg14: memref<!tpu.dma_semaphore, #tpu.memory_space<semaphore_mem>>, %arg15: memref<!tpu.dma_semaphore, #tpu.memory_space<semaphore_mem>>, %arg16: memref<!tpu.dma_semaphore, #tpu.memory_space<semaphore_mem>>) attributes {dimension_semantics = [#tpu.dimension_semantics<core_parallel>, #tpu.dimension_semantics<subcore_parallel>], iteration_bounds = array<i64: 2, 16>, scalar_prefetch = 0 : i64, scratch_operands = 11 : i64, tpu.core_type = #tpu.core_type<sc_vector_subcore>, window_params = [{transform_indices = #map}, {transform_indices = #map1}, {transform_indices = #map2}, {transform_indices = #map}]} {
    %mul3A = arith.constant 2 : i32
    %mul3A_0 = arith.muli %arg1, %mul3A : i32
    %add3A = arith.addi %mul3A_0, %arg0 : i32
    %mul3A_1 = arith.constant 32 : i32
    %mul3A_2 = arith.muli %add3A, %mul3A_1 : i32
    %dma_start3A = arith.constant 0 : i32
    %dma_start3A_3 = arith.constant 0 : i32
    %dma_start3A_4 = arith.constant 0 : i32
    %dma_start3A_5 = tpu.memref_slice %arg3[%add3A, %dma_start3A, %dma_start3A_3, %dma_start3A_4] : memref<32x32x8x50xi32, #tpu.memory_space<hbm>> -> memref<1x1x8x50xi32, #tpu.memory_space<hbm>>
    %dma_start3A_6 = tpu.memref_squeeze %dma_start3A_5 : memref<1x1x8x50xi32, #tpu.memory_space<hbm>> -> memref<8x50xi32, #tpu.memory_space<hbm>>
    %dma_start3A_7 = arith.constant 0 : i32
    %dma_start3A_8 = arith.constant 0 : i32
    %dma_start3A_9 = tpu.memref_slice %arg3[%add3A, %dma_start3A, %dma_start3A_7, %dma_start3A_8] : memref<32x32x8x50xi32, #tpu.memory_space<hbm>> -> memref<1x1x8x50xi32, #tpu.memory_space<hbm>>
    %dma_start3A_10 = tpu.memref_squeeze %dma_start3A_9 : memref<1x1x8x50xi32, #tpu.memory_space<hbm>> -> memref<8x50xi32, #tpu.memory_space<hbm>>
    tpu.enqueue_dma source(%dma_start3A_10 : memref<8x50xi32, #tpu.memory_space<hbm>>) target(%arg6 : memref<8x50xi32, #tpu.memory_space<vmem>>) target_semaphore(%arg11 : memref<!tpu.dma_semaphore, #tpu.memory_space<semaphore_mem>>)
    %dma_start3A_11 = arith.constant 1 : i32
    %dma_start3A_12 = arith.constant 0 : i32
    %dma_start3A_13 = arith.constant 0 : i32
    %dma_start3A_14 = tpu.memref_slice %arg3[%add3A, %dma_start3A_11, %dma_start3A_12, %dma_start3A_13] : memref<32x32x8x50xi32, #tpu.memory_space<hbm>> -> memref<1x1x8x50xi32, #tpu.memory_space<hbm>>
    %dma_start3A_15 = tpu.memref_squeeze %dma_start3A_14 : memref<1x1x8x50xi32, #tpu.memory_space<hbm>> -> memref<8x50xi32, #tpu.memory_space<hbm>>
    %dma_start3A_16 = arith.constant 0 : i32
    %dma_start3A_17 = arith.constant 0 : i32
    %dma_start3A_18 = tpu.memref_slice %arg3[%add3A, %dma_start3A_11, %dma_start3A_16, %dma_start3A_17] : memref<32x32x8x50xi32, #tpu.memory_space<hbm>> -> memref<1x1x8x50xi32, #tpu.memory_space<hbm>>
    %dma_start3A_19 = tpu.memref_squeeze %dma_start3A_18 : memref<1x1x8x50xi32, #tpu.memory_space<hbm>> -> memref<8x50xi32, #tpu.memory_space<hbm>>
    tpu.enqueue_dma source(%dma_start3A_19 : memref<8x50xi32, #tpu.memory_space<hbm>>) target(%arg7 : memref<8x50xi32, #tpu.memory_space<vmem>>) target_semaphore(%arg12 : memref<!tpu.dma_semaphore, #tpu.memory_space<semaphore_mem>>)
    %add3A_20 = arith.constant 32 : i32
    %add3A_21 = arith.addi %mul3A_2, %add3A_20 : i32
    %sub3A = arith.constant 1 : i32
    %sub3A_22 = arith.subi %add3A_21, %sub3A : i32
    %dma_start3A_23 = arith.constant 0 : i32
    %dma_start3A_24 = arith.constant 0 : i32
    %dma_start3A_25 = tpu.memref_slice %arg4[%sub3A_22, %dma_start3A_23, %dma_start3A_24] : memref<1024x50x1024xf32, #tpu.memory_space<hbm>> -> memref<1x50x1024xf32, #tpu.memory_space<hbm>>
    %dma_start3A_26 = tpu.memref_squeeze %dma_start3A_25 : memref<1x50x1024xf32, #tpu.memory_space<hbm>> -> memref<50x1024xf32, #tpu.memory_space<hbm>>
    %dma_start3A_27 = arith.constant 0 : i32
    %dma_start3A_28 = arith.constant 0 : i32
    %dma_start3A_29 = tpu.memref_slice %arg4[%sub3A_22, %dma_start3A_27, %dma_start3A_28] : memref<1024x50x1024xf32, #tpu.memory_space<hbm>> -> memref<1x50x1024xf32, #tpu.memory_space<hbm>>
    %dma_start3A_30 = tpu.memref_squeeze %dma_start3A_29 : memref<1x50x1024xf32, #tpu.memory_space<hbm>> -> memref<50x1024xf32, #tpu.memory_space<hbm>>
    tpu.enqueue_dma source(%arg9 : memref<50x1024xf32, #tpu.memory_space<vmem>>) target(%dma_start3A_30 : memref<50x1024xf32, #tpu.memory_space<hbm>>) target_semaphore(%arg16 : memref<!tpu.dma_semaphore, #tpu.memory_space<semaphore_mem>>)
    %dma_wait3A = arith.constant 0 : i32
    %dma_wait3A_31 = arith.constant 0 : i32
    %dma_wait3A_32 = arith.constant 0 : i32
    %dma_wait3A_33 = tpu.memref_slice %arg3[%add3A, %dma_wait3A, %dma_wait3A_31, %dma_wait3A_32] : memref<32x32x8x50xi32, #tpu.memory_space<hbm>> -> memref<1x1x8x50xi32, #tpu.memory_space<hbm>>
    %dma_wait3A_34 = tpu.memref_squeeze %dma_wait3A_33 : memref<1x1x8x50xi32, #tpu.memory_space<hbm>> -> memref<8x50xi32, #tpu.memory_space<hbm>>
    %dma_wait3A_35 = arith.constant 0 : i32
    %dma_wait3A_36 = arith.constant 0 : i32
    %dma_wait3A_37 = tpu.memref_slice %arg3[%add3A, %dma_wait3A, %dma_wait3A_35, %dma_wait3A_36] : memref<32x32x8x50xi32, #tpu.memory_space<hbm>> -> memref<1x1x8x50xi32, #tpu.memory_space<hbm>>
    %dma_wait3A_38 = tpu.memref_squeeze %dma_wait3A_37 : memref<1x1x8x50xi32, #tpu.memory_space<hbm>> -> memref<8x50xi32, #tpu.memory_space<hbm>>
    tpu.wait_dma2 semaphore(%arg11 : memref<!tpu.dma_semaphore, #tpu.memory_space<semaphore_mem>>) src(%dma_wait3A_38 : memref<8x50xi32, #tpu.memory_space<hbm>>) dst(%arg6 : memref<8x50xi32, #tpu.memory_space<vmem>>)
    %dma_start3A_39 = arith.constant 0 : i32
    %dma_start3A_40 = arith.constant 0 : i32
    %dma_start3A_41 = arith.constant 0 : i32
    %dma_start3A_42 = tpu.memref_slice %arg8[%dma_start3A_40, %dma_start3A_41] : memref<50x1024xf32, #tpu.memory_space<vmem>> -> memref<50x128xf32, #tpu.memory_space<vmem>>
    %dma_start3A_43 = arith.constant 0 : i32
    %dma_start3A_44 = tpu.memref_slice %arg6[%dma_start3A_39, %dma_start3A_43] : memref<8x50xi32, #tpu.memory_space<vmem>> -> memref<1x50xi32, #tpu.memory_space<vmem>>
    %dma_start3A_45 = tpu.memref_squeeze %dma_start3A_44 : memref<1x50xi32, #tpu.memory_space<vmem>> -> memref<50xi32, #tpu.memory_space<vmem>>
    %dma_start3A_46 = arith.constant 0 : i32
    %dma_start3A_47 = arith.constant 0 : i32
    %dma_start3A_48 = tpu.memref_slice %arg2[%dma_start3A_46, %dma_start3A_47] : memref<8000x128xf32, #tpu.memory_space<hbm>> -> memref<8000x128xf32, #tpu.memory_space<hbm>>
    tpu.enqueue_indirect_dma source(%dma_start3A_48 : memref<8000x128xf32, #tpu.memory_space<hbm>>) target(%dma_start3A_42 : memref<50x128xf32, #tpu.memory_space<vmem>>) offsets(%dma_start3A_45 : memref<50xi32, #tpu.memory_space<vmem>>) semaphore(%arg13 : memref<!tpu.dma_semaphore, #tpu.memory_space<semaphore_mem>>)
    %dma_start3A_49 = arith.constant 1 : i32
    %dma_start3A_50 = arith.constant 0 : i32
    %dma_start3A_51 = arith.constant 128 : i32
    %dma_start3A_52 = tpu.memref_slice %arg8[%dma_start3A_50, %dma_start3A_51] : memref<50x1024xf32, #tpu.memory_space<vmem>> -> memref<50x128xf32, #tpu.memory_space<vmem>>
    %dma_start3A_53 = arith.constant 0 : i32
    %dma_start3A_54 = tpu.memref_slice %arg6[%dma_start3A_49, %dma_start3A_53] : memref<8x50xi32, #tpu.memory_space<vmem>> -> memref<1x50xi32, #tpu.memory_space<vmem>>
    %dma_start3A_55 = tpu.memref_squeeze %dma_start3A_54 : memref<1x50xi32, #tpu.memory_space<vmem>> -> memref<50xi32, #tpu.memory_space<vmem>>
    %dma_start3A_56 = arith.constant 0 : i32
    %dma_start3A_57 = arith.constant 0 : i32
    %dma_start3A_58 = tpu.memref_slice %arg2[%dma_start3A_56, %dma_start3A_57] : memref<8000x128xf32, #tpu.memory_space<hbm>> -> memref<8000x128xf32, #tpu.memory_space<hbm>>
    tpu.enqueue_indirect_dma source(%dma_start3A_58 : memref<8000x128xf32, #tpu.memory_space<hbm>>) target(%dma_start3A_52 : memref<50x128xf32, #tpu.memory_space<vmem>>) offsets(%dma_start3A_55 : memref<50xi32, #tpu.memory_space<vmem>>) semaphore(%arg13 : memref<!tpu.dma_semaphore, #tpu.memory_space<semaphore_mem>>)
    %dma_start3A_59 = arith.constant 2 : i32
    %dma_start3A_60 = arith.constant 0 : i32
    %dma_start3A_61 = arith.constant 256 : i32
    %dma_start3A_62 = tpu.memref_slice %arg8[%dma_start3A_60, %dma_start3A_61] : memref<50x1024xf32, #tpu.memory_space<vmem>> -> memref<50x128xf32, #tpu.memory_space<vmem>>
    %dma_start3A_63 = arith.constant 0 : i32
    %dma_start3A_64 = tpu.memref_slice %arg6[%dma_start3A_59, %dma_start3A_63] : memref<8x50xi32, #tpu.memory_space<vmem>> -> memref<1x50xi32, #tpu.memory_space<vmem>>
    %dma_start3A_65 = tpu.memref_squeeze %dma_start3A_64 : memref<1x50xi32, #tpu.memory_space<vmem>> -> memref<50xi32, #tpu.memory_space<vmem>>
    %dma_start3A_66 = arith.constant 0 : i32
    %dma_start3A_67 = arith.constant 0 : i32
    %dma_start3A_68 = tpu.memref_slice %arg2[%dma_start3A_66, %dma_start3A_67] : memref<8000x128xf32, #tpu.memory_space<hbm>> -> memref<8000x128xf32, #tpu.memory_space<hbm>>
    tpu.enqueue_indirect_dma source(%dma_start3A_68 : memref<8000x128xf32, #tpu.memory_space<hbm>>) target(%dma_start3A_62 : memref<50x128xf32, #tpu.memory_space<vmem>>) offsets(%dma_start3A_65 : memref<50xi32, #tpu.memory_space<vmem>>) semaphore(%arg13 : memref<!tpu.dma_semaphore, #tpu.memory_space<semaphore_mem>>)
    %dma_start3A_69 = arith.constant 3 : i32
    %dma_start3A_70 = arith.constant 0 : i32
    %dma_start3A_71 = arith.constant 384 : i32
    %dma_start3A_72 = tpu.memref_slice %arg8[%dma_start3A_70, %dma_start3A_71] : memref<50x1024xf32, #tpu.memory_space<vmem>> -> memref<50x128xf32, #tpu.memory_space<vmem>>
    %dma_start3A_73 = arith.constant 0 : i32
    %dma_start3A_74 = tpu.memref_slice %arg6[%dma_start3A_69, %dma_start3A_73] : memref<8x50xi32, #tpu.memory_space<vmem>> -> memref<1x50xi32, #tpu.memory_space<vmem>>
    %dma_start3A_75 = tpu.memref_squeeze %dma_start3A_74 : memref<1x50xi32, #tpu.memory_space<vmem>> -> memref<50xi32, #tpu.memory_space<vmem>>
    %dma_start3A_76 = arith.constant 0 : i32
    %dma_start3A_77 = arith.constant 0 : i32
    %dma_start3A_78 = tpu.memref_slice %arg2[%dma_start3A_76, %dma_start3A_77] : memref<8000x128xf32, #tpu.memory_space<hbm>> -> memref<8000x128xf32, #tpu.memory_space<hbm>>
    tpu.enqueue_indirect_dma source(%dma_start3A_78 : memref<8000x128xf32, #tpu.memory_space<hbm>>) target(%dma_start3A_72 : memref<50x128xf32, #tpu.memory_space<vmem>>) offsets(%dma_start3A_75 : memref<50xi32, #tpu.memory_space<vmem>>) semaphore(%arg13 : memref<!tpu.dma_semaphore, #tpu.memory_space<semaphore_mem>>)
    %dma_start3A_79 = arith.constant 4 : i32
    %dma_start3A_80 = arith.constant 0 : i32
    %dma_start3A_81 = arith.constant 512 : i32
    %dma_start3A_82 = tpu.memref_slice %arg8[%dma_start3A_80, %dma_start3A_81] : memref<50x1024xf32, #tpu.memory_space<vmem>> -> memref<50x128xf32, #tpu.memory_space<vmem>>
    %dma_start3A_83 = arith.constant 0 : i32
    %dma_start3A_84 = tpu.memref_slice %arg6[%dma_start3A_79, %dma_start3A_83] : memref<8x50xi32, #tpu.memory_space<vmem>> -> memref<1x50xi32, #tpu.memory_space<vmem>>
    %dma_start3A_85 = tpu.memref_squeeze %dma_start3A_84 : memref<1x50xi32, #tpu.memory_space<vmem>> -> memref<50xi32, #tpu.memory_space<vmem>>
    %dma_start3A_86 = arith.constant 0 : i32
    %dma_start3A_87 = arith.constant 0 : i32
    %dma_start3A_88 = tpu.memref_slice %arg2[%dma_start3A_86, %dma_start3A_87] : memref<8000x128xf32, #tpu.memory_space<hbm>> -> memref<8000x128xf32, #tpu.memory_space<hbm>>
    tpu.enqueue_indirect_dma source(%dma_start3A_88 : memref<8000x128xf32, #tpu.memory_space<hbm>>) target(%dma_start3A_82 : memref<50x128xf32, #tpu.memory_space<vmem>>) offsets(%dma_start3A_85 : memref<50xi32, #tpu.memory_space<vmem>>) semaphore(%arg13 : memref<!tpu.dma_semaphore, #tpu.memory_space<semaphore_mem>>)
    %dma_start3A_89 = arith.constant 5 : i32
    %dma_start3A_90 = arith.constant 0 : i32
    %dma_start3A_91 = arith.constant 640 : i32
    %dma_start3A_92 = tpu.memref_slice %arg8[%dma_start3A_90, %dma_start3A_91] : memref<50x1024xf32, #tpu.memory_space<vmem>> -> memref<50x128xf32, #tpu.memory_space<vmem>>
    %dma_start3A_93 = arith.constant 0 : i32
    %dma_start3A_94 = tpu.memref_slice %arg6[%dma_start3A_89, %dma_start3A_93] : memref<8x50xi32, #tpu.memory_space<vmem>> -> memref<1x50xi32, #tpu.memory_space<vmem>>
    %dma_start3A_95 = tpu.memref_squeeze %dma_start3A_94 : memref<1x50xi32, #tpu.memory_space<vmem>> -> memref<50xi32, #tpu.memory_space<vmem>>
    %dma_start3A_96 = arith.constant 0 : i32
    %dma_start3A_97 = arith.constant 0 : i32
    %dma_start3A_98 = tpu.memref_slice %arg2[%dma_start3A_96, %dma_start3A_97] : memref<8000x128xf32, #tpu.memory_space<hbm>> -> memref<8000x128xf32, #tpu.memory_space<hbm>>
    tpu.enqueue_indirect_dma source(%dma_start3A_98 : memref<8000x128xf32, #tpu.memory_space<hbm>>) target(%dma_start3A_92 : memref<50x128xf32, #tpu.memory_space<vmem>>) offsets(%dma_start3A_95 : memref<50xi32, #tpu.memory_space<vmem>>) semaphore(%arg13 : memref<!tpu.dma_semaphore, #tpu.memory_space<semaphore_mem>>)
    %dma_start3A_99 = arith.constant 6 : i32
    %dma_start3A_100 = arith.constant 0 : i32
    %dma_start3A_101 = arith.constant 768 : i32
    %dma_start3A_102 = tpu.memref_slice %arg8[%dma_start3A_100, %dma_start3A_101] : memref<50x1024xf32, #tpu.memory_space<vmem>> -> memref<50x128xf32, #tpu.memory_space<vmem>>
    %dma_start3A_103 = arith.constant 0 : i32
    %dma_start3A_104 = tpu.memref_slice %arg6[%dma_start3A_99, %dma_start3A_103] : memref<8x50xi32, #tpu.memory_space<vmem>> -> memref<1x50xi32, #tpu.memory_space<vmem>>
    %dma_start3A_105 = tpu.memref_squeeze %dma_start3A_104 : memref<1x50xi32, #tpu.memory_space<vmem>> -> memref<50xi32, #tpu.memory_space<vmem>>
    %dma_start3A_106 = arith.constant 0 : i32
    %dma_start3A_107 = arith.constant 0 : i32
    %dma_start3A_108 = tpu.memref_slice %arg2[%dma_start3A_106, %dma_start3A_107] : memref<8000x128xf32, #tpu.memory_space<hbm>> -> memref<8000x128xf32, #tpu.memory_space<hbm>>
    tpu.enqueue_indirect_dma source(%dma_start3A_108 : memref<8000x128xf32, #tpu.memory_space<hbm>>) target(%dma_start3A_102 : memref<50x128xf32, #tpu.memory_space<vmem>>) offsets(%dma_start3A_105 : memref<50xi32, #tpu.memory_space<vmem>>) semaphore(%arg13 : memref<!tpu.dma_semaphore, #tpu.memory_space<semaphore_mem>>)
    %dma_start3A_109 = arith.constant 7 : i32
    %dma_start3A_110 = arith.constant 0 : i32
    %dma_start3A_111 = arith.constant 896 : i32
    %dma_start3A_112 = tpu.memref_slice %arg8[%dma_start3A_110, %dma_start3A_111] : memref<50x1024xf32, #tpu.memory_space<vmem>> -> memref<50x128xf32, #tpu.memory_space<vmem>>
    %dma_start3A_113 = arith.constant 0 : i32
    %dma_start3A_114 = tpu.memref_slice %arg6[%dma_start3A_109, %dma_start3A_113] : memref<8x50xi32, #tpu.memory_space<vmem>> -> memref<1x50xi32, #tpu.memory_space<vmem>>
    %dma_start3A_115 = tpu.memref_squeeze %dma_start3A_114 : memref<1x50xi32, #tpu.memory_space<vmem>> -> memref<50xi32, #tpu.memory_space<vmem>>
    %dma_start3A_116 = arith.constant 0 : i32
    %dma_start3A_117 = arith.constant 0 : i32
    %dma_start3A_118 = tpu.memref_slice %arg2[%dma_start3A_116, %dma_start3A_117] : memref<8000x128xf32, #tpu.memory_space<hbm>> -> memref<8000x128xf32, #tpu.memory_space<hbm>>
    tpu.enqueue_indirect_dma source(%dma_start3A_118 : memref<8000x128xf32, #tpu.memory_space<hbm>>) target(%dma_start3A_112 : memref<50x128xf32, #tpu.memory_space<vmem>>) offsets(%dma_start3A_115 : memref<50xi32, #tpu.memory_space<vmem>>) semaphore(%arg13 : memref<!tpu.dma_semaphore, #tpu.memory_space<semaphore_mem>>)
    %broadcast_in_dim3A = arith.constant 0.000000e+00 : f32
    %broadcast_in_dim3A_119 = vector.broadcast %broadcast_in_dim3A : f32 to vector<16xf32>
    %scan3A = arith.constant 0 : i32
    %scan3A_120 = arith.constant 16 : i32
    %scan3A_121 = arith.addi %scan3A, %scan3A_120 : i32
    %scan3A_122 = arith.constant 1 : i32
    %scan3A_123 = scf.for %scan3A_227 = %scan3A to %scan3A_121 step %scan3A_122 iter_args(%scan3A_228 = %broadcast_in_dim3A_119) -> (vector<16xf32>)  : i32 {
      %mul3A_229 = arith.constant 2 : i32
      %mul3A_230 = arith.muli %mul3A_229, %scan3A_227 : i32
      %add3A_231 = arith.constant 1 : i32
      %add3A_232 = arith.addi %mul3A_230, %add3A_231 : i32
      %add3A_233 = arith.addi %mul3A_2, %add3A_232 : i32
      %dma_wait3A_234 = arith.constant 0 : i32
      %dma_wait3A_235 = arith.constant 0 : i32
      %dma_wait3A_236 = tpu.memref_slice %arg4[%add3A_233, %dma_wait3A_234, %dma_wait3A_235] : memref<1024x50x1024xf32, #tpu.memory_space<hbm>> -> memref<1x50x1024xf32, #tpu.memory_space<hbm>>
      %dma_wait3A_237 = tpu.memref_squeeze %dma_wait3A_236 : memref<1x50x1024xf32, #tpu.memory_space<hbm>> -> memref<50x1024xf32, #tpu.memory_space<hbm>>
      %dma_wait3A_238 = arith.constant 0 : i32
      %dma_wait3A_239 = arith.constant 0 : i32
      %dma_wait3A_240 = tpu.memref_slice %arg4[%add3A_233, %dma_wait3A_238, %dma_wait3A_239] : memref<1024x50x1024xf32, #tpu.memory_space<hbm>> -> memref<1x50x1024xf32, #tpu.memory_space<hbm>>
      %dma_wait3A_241 = tpu.memref_squeeze %dma_wait3A_240 : memref<1x50x1024xf32, #tpu.memory_space<hbm>> -> memref<50x1024xf32, #tpu.memory_space<hbm>>
      tpu.wait_dma2 semaphore(%arg16 : memref<!tpu.dma_semaphore, #tpu.memory_space<semaphore_mem>>) src(%arg9 : memref<50x1024xf32, #tpu.memory_space<vmem>>) dst(%dma_wait3A_241 : memref<50x1024xf32, #tpu.memory_space<hbm>>)
      %dma_wait3A_242 = arith.constant 0 : i32
      %dma_wait3A_243 = arith.constant 0 : i32
      %dma_wait3A_244 = tpu.memref_slice %arg3[%add3A, %add3A_232, %dma_wait3A_242, %dma_wait3A_243] : memref<32x32x8x50xi32, #tpu.memory_space<hbm>> -> memref<1x1x8x50xi32, #tpu.memory_space<hbm>>
      %dma_wait3A_245 = tpu.memref_squeeze %dma_wait3A_244 : memref<1x1x8x50xi32, #tpu.memory_space<hbm>> -> memref<8x50xi32, #tpu.memory_space<hbm>>
      %dma_wait3A_246 = arith.constant 0 : i32
      %dma_wait3A_247 = arith.constant 0 : i32
      %dma_wait3A_248 = tpu.memref_slice %arg3[%add3A, %add3A_232, %dma_wait3A_246, %dma_wait3A_247] : memref<32x32x8x50xi32, #tpu.memory_space<hbm>> -> memref<1x1x8x50xi32, #tpu.memory_space<hbm>>
      %dma_wait3A_249 = tpu.memref_squeeze %dma_wait3A_248 : memref<1x1x8x50xi32, #tpu.memory_space<hbm>> -> memref<8x50xi32, #tpu.memory_space<hbm>>
      tpu.wait_dma2 semaphore(%arg12 : memref<!tpu.dma_semaphore, #tpu.memory_space<semaphore_mem>>) src(%dma_wait3A_249 : memref<8x50xi32, #tpu.memory_space<hbm>>) dst(%arg7 : memref<8x50xi32, #tpu.memory_space<vmem>>)
      %dma_start3A_250 = arith.constant 0 : i32
      %dma_start3A_251 = arith.constant 0 : i32
      %dma_start3A_252 = arith.constant 0 : i32
      %dma_start3A_253 = tpu.memref_slice %arg9[%dma_start3A_251, %dma_start3A_252] : memref<50x1024xf32, #tpu.memory_space<vmem>> -> memref<50x128xf32, #tpu.memory_space<vmem>>
      %dma_start3A_254 = arith.constant 0 : i32
      %dma_start3A_255 = tpu.memref_slice %arg7[%dma_start3A_250, %dma_start3A_254] : memref<8x50xi32, #tpu.memory_space<vmem>> -> memref<1x50xi32, #tpu.memory_space<vmem>>
      %dma_start3A_256 = tpu.memref_squeeze %dma_start3A_255 : memref<1x50xi32, #tpu.memory_space<vmem>> -> memref<50xi32, #tpu.memory_space<vmem>>
      %dma_start3A_257 = arith.constant 0 : i32
      %dma_start3A_258 = arith.constant 0 : i32
      %dma_start3A_259 = tpu.memref_slice %arg2[%dma_start3A_257, %dma_start3A_258] : memref<8000x128xf32, #tpu.memory_space<hbm>> -> memref<8000x128xf32, #tpu.memory_space<hbm>>
      tpu.enqueue_indirect_dma source(%dma_start3A_259 : memref<8000x128xf32, #tpu.memory_space<hbm>>) target(%dma_start3A_253 : memref<50x128xf32, #tpu.memory_space<vmem>>) offsets(%dma_start3A_256 : memref<50xi32, #tpu.memory_space<vmem>>) semaphore(%arg14 : memref<!tpu.dma_semaphore, #tpu.memory_space<semaphore_mem>>)
      %dma_start3A_260 = arith.constant 1 : i32
      %dma_start3A_261 = arith.constant 0 : i32
      %dma_start3A_262 = arith.constant 128 : i32
      %dma_start3A_263 = tpu.memref_slice %arg9[%dma_start3A_261, %dma_start3A_262] : memref<50x1024xf32, #tpu.memory_space<vmem>> -> memref<50x128xf32, #tpu.memory_space<vmem>>
      %dma_start3A_264 = arith.constant 0 : i32
      %dma_start3A_265 = tpu.memref_slice %arg7[%dma_start3A_260, %dma_start3A_264] : memref<8x50xi32, #tpu.memory_space<vmem>> -> memref<1x50xi32, #tpu.memory_space<vmem>>
      %dma_start3A_266 = tpu.memref_squeeze %dma_start3A_265 : memref<1x50xi32, #tpu.memory_space<vmem>> -> memref<50xi32, #tpu.memory_space<vmem>>
      %dma_start3A_267 = arith.constant 0 : i32
      %dma_start3A_268 = arith.constant 0 : i32
      %dma_start3A_269 = tpu.memref_slice %arg2[%dma_start3A_267, %dma_start3A_268] : memref<8000x128xf32, #tpu.memory_space<hbm>> -> memref<8000x128xf32, #tpu.memory_space<hbm>>
      tpu.enqueue_indirect_dma source(%dma_start3A_269 : memref<8000x128xf32, #tpu.memory_space<hbm>>) target(%dma_start3A_263 : memref<50x128xf32, #tpu.memory_space<vmem>>) offsets(%dma_start3A_266 : memref<50xi32, #tpu.memory_space<vmem>>) semaphore(%arg14 : memref<!tpu.dma_semaphore, #tpu.memory_space<semaphore_mem>>)
      %dma_start3A_270 = arith.constant 2 : i32
      %dma_start3A_271 = arith.constant 0 : i32
      %dma_start3A_272 = arith.constant 256 : i32
      %dma_start3A_273 = tpu.memref_slice %arg9[%dma_start3A_271, %dma_start3A_272] : memref<50x1024xf32, #tpu.memory_space<vmem>> -> memref<50x128xf32, #tpu.memory_space<vmem>>
      %dma_start3A_274 = arith.constant 0 : i32
      %dma_start3A_275 = tpu.memref_slice %arg7[%dma_start3A_270, %dma_start3A_274] : memref<8x50xi32, #tpu.memory_space<vmem>> -> memref<1x50xi32, #tpu.memory_space<vmem>>
      %dma_start3A_276 = tpu.memref_squeeze %dma_start3A_275 : memref<1x50xi32, #tpu.memory_space<vmem>> -> memref<50xi32, #tpu.memory_space<vmem>>
      %dma_start3A_277 = arith.constant 0 : i32
      %dma_start3A_278 = arith.constant 0 : i32
      %dma_start3A_279 = tpu.memref_slice %arg2[%dma_start3A_277, %dma_start3A_278] : memref<8000x128xf32, #tpu.memory_space<hbm>> -> memref<8000x128xf32, #tpu.memory_space<hbm>>
      tpu.enqueue_indirect_dma source(%dma_start3A_279 : memref<8000x128xf32, #tpu.memory_space<hbm>>) target(%dma_start3A_273 : memref<50x128xf32, #tpu.memory_space<vmem>>) offsets(%dma_start3A_276 : memref<50xi32, #tpu.memory_space<vmem>>) semaphore(%arg14 : memref<!tpu.dma_semaphore, #tpu.memory_space<semaphore_mem>>)
      %dma_start3A_280 = arith.constant 3 : i32
      %dma_start3A_281 = arith.constant 0 : i32
      %dma_start3A_282 = arith.constant 384 : i32
      %dma_start3A_283 = tpu.memref_slice %arg9[%dma_start3A_281, %dma_start3A_282] : memref<50x1024xf32, #tpu.memory_space<vmem>> -> memref<50x128xf32, #tpu.memory_space<vmem>>
      %dma_start3A_284 = arith.constant 0 : i32
      %dma_start3A_285 = tpu.memref_slice %arg7[%dma_start3A_280, %dma_start3A_284] : memref<8x50xi32, #tpu.memory_space<vmem>> -> memref<1x50xi32, #tpu.memory_space<vmem>>
      %dma_start3A_286 = tpu.memref_squeeze %dma_start3A_285 : memref<1x50xi32, #tpu.memory_space<vmem>> -> memref<50xi32, #tpu.memory_space<vmem>>
      %dma_start3A_287 = arith.constant 0 : i32
      %dma_start3A_288 = arith.constant 0 : i32
      %dma_start3A_289 = tpu.memref_slice %arg2[%dma_start3A_287, %dma_start3A_288] : memref<8000x128xf32, #tpu.memory_space<hbm>> -> memref<8000x128xf32, #tpu.memory_space<hbm>>
      tpu.enqueue_indirect_dma source(%dma_start3A_289 : memref<8000x128xf32, #tpu.memory_space<hbm>>) target(%dma_start3A_283 : memref<50x128xf32, #tpu.memory_space<vmem>>) offsets(%dma_start3A_286 : memref<50xi32, #tpu.memory_space<vmem>>) semaphore(%arg14 : memref<!tpu.dma_semaphore, #tpu.memory_space<semaphore_mem>>)
      %dma_start3A_290 = arith.constant 4 : i32
      %dma_start3A_291 = arith.constant 0 : i32
      %dma_start3A_292 = arith.constant 512 : i32
      %dma_start3A_293 = tpu.memref_slice %arg9[%dma_start3A_291, %dma_start3A_292] : memref<50x1024xf32, #tpu.memory_space<vmem>> -> memref<50x128xf32, #tpu.memory_space<vmem>>
      %dma_start3A_294 = arith.constant 0 : i32
      %dma_start3A_295 = tpu.memref_slice %arg7[%dma_start3A_290, %dma_start3A_294] : memref<8x50xi32, #tpu.memory_space<vmem>> -> memref<1x50xi32, #tpu.memory_space<vmem>>
      %dma_start3A_296 = tpu.memref_squeeze %dma_start3A_295 : memref<1x50xi32, #tpu.memory_space<vmem>> -> memref<50xi32, #tpu.memory_space<vmem>>
      %dma_start3A_297 = arith.constant 0 : i32
      %dma_start3A_298 = arith.constant 0 : i32
      %dma_start3A_299 = tpu.memref_slice %arg2[%dma_start3A_297, %dma_start3A_298] : memref<8000x128xf32, #tpu.memory_space<hbm>> -> memref<8000x128xf32, #tpu.memory_space<hbm>>
      tpu.enqueue_indirect_dma source(%dma_start3A_299 : memref<8000x128xf32, #tpu.memory_space<hbm>>) target(%dma_start3A_293 : memref<50x128xf32, #tpu.memory_space<vmem>>) offsets(%dma_start3A_296 : memref<50xi32, #tpu.memory_space<vmem>>) semaphore(%arg14 : memref<!tpu.dma_semaphore, #tpu.memory_space<semaphore_mem>>)
      %dma_start3A_300 = arith.constant 5 : i32
      %dma_start3A_301 = arith.constant 0 : i32
      %dma_start3A_302 = arith.constant 640 : i32
      %dma_start3A_303 = tpu.memref_slice %arg9[%dma_start3A_301, %dma_start3A_302] : memref<50x1024xf32, #tpu.memory_space<vmem>> -> memref<50x128xf32, #tpu.memory_space<vmem>>
      %dma_start3A_304 = arith.constant 0 : i32
      %dma_start3A_305 = tpu.memref_slice %arg7[%dma_start3A_300, %dma_start3A_304] : memref<8x50xi32, #tpu.memory_space<vmem>> -> memref<1x50xi32, #tpu.memory_space<vmem>>
      %dma_start3A_306 = tpu.memref_squeeze %dma_start3A_305 : memref<1x50xi32, #tpu.memory_space<vmem>> -> memref<50xi32, #tpu.memory_space<vmem>>
      %dma_start3A_307 = arith.constant 0 : i32
      %dma_start3A_308 = arith.constant 0 : i32
      %dma_start3A_309 = tpu.memref_slice %arg2[%dma_start3A_307, %dma_start3A_308] : memref<8000x128xf32, #tpu.memory_space<hbm>> -> memref<8000x128xf32, #tpu.memory_space<hbm>>
      tpu.enqueue_indirect_dma source(%dma_start3A_309 : memref<8000x128xf32, #tpu.memory_space<hbm>>) target(%dma_start3A_303 : memref<50x128xf32, #tpu.memory_space<vmem>>) offsets(%dma_start3A_306 : memref<50xi32, #tpu.memory_space<vmem>>) semaphore(%arg14 : memref<!tpu.dma_semaphore, #tpu.memory_space<semaphore_mem>>)
      %dma_start3A_310 = arith.constant 6 : i32
      %dma_start3A_311 = arith.constant 0 : i32
      %dma_start3A_312 = arith.constant 768 : i32
      %dma_start3A_313 = tpu.memref_slice %arg9[%dma_start3A_311, %dma_start3A_312] : memref<50x1024xf32, #tpu.memory_space<vmem>> -> memref<50x128xf32, #tpu.memory_space<vmem>>
      %dma_start3A_314 = arith.constant 0 : i32
      %dma_start3A_315 = tpu.memref_slice %arg7[%dma_start3A_310, %dma_start3A_314] : memref<8x50xi32, #tpu.memory_space<vmem>> -> memref<1x50xi32, #tpu.memory_space<vmem>>
      %dma_start3A_316 = tpu.memref_squeeze %dma_start3A_315 : memref<1x50xi32, #tpu.memory_space<vmem>> -> memref<50xi32, #tpu.memory_space<vmem>>
      %dma_start3A_317 = arith.constant 0 : i32
      %dma_start3A_318 = arith.constant 0 : i32
      %dma_start3A_319 = tpu.memref_slice %arg2[%dma_start3A_317, %dma_start3A_318] : memref<8000x128xf32, #tpu.memory_space<hbm>> -> memref<8000x128xf32, #tpu.memory_space<hbm>>
      tpu.enqueue_indirect_dma source(%dma_start3A_319 : memref<8000x128xf32, #tpu.memory_space<hbm>>) target(%dma_start3A_313 : memref<50x128xf32, #tpu.memory_space<vmem>>) offsets(%dma_start3A_316 : memref<50xi32, #tpu.memory_space<vmem>>) semaphore(%arg14 : memref<!tpu.dma_semaphore, #tpu.memory_space<semaphore_mem>>)
      %dma_start3A_320 = arith.constant 7 : i32
      %dma_start3A_321 = arith.constant 0 : i32
      %dma_start3A_322 = arith.constant 896 : i32
      %dma_start3A_323 = tpu.memref_slice %arg9[%dma_start3A_321, %dma_start3A_322] : memref<50x1024xf32, #tpu.memory_space<vmem>> -> memref<50x128xf32, #tpu.memory_space<vmem>>
      %dma_start3A_324 = arith.constant 0 : i32
      %dma_start3A_325 = tpu.memref_slice %arg7[%dma_start3A_320, %dma_start3A_324] : memref<8x50xi32, #tpu.memory_space<vmem>> -> memref<1x50xi32, #tpu.memory_space<vmem>>
      %dma_start3A_326 = tpu.memref_squeeze %dma_start3A_325 : memref<1x50xi32, #tpu.memory_space<vmem>> -> memref<50xi32, #tpu.memory_space<vmem>>
      %dma_start3A_327 = arith.constant 0 : i32
      %dma_start3A_328 = arith.constant 0 : i32
      %dma_start3A_329 = tpu.memref_slice %arg2[%dma_start3A_327, %dma_start3A_328] : memref<8000x128xf32, #tpu.memory_space<hbm>> -> memref<8000x128xf32, #tpu.memory_space<hbm>>
      tpu.enqueue_indirect_dma source(%dma_start3A_329 : memref<8000x128xf32, #tpu.memory_space<hbm>>) target(%dma_start3A_323 : memref<50x128xf32, #tpu.memory_space<vmem>>) offsets(%dma_start3A_326 : memref<50xi32, #tpu.memory_space<vmem>>) semaphore(%arg14 : memref<!tpu.dma_semaphore, #tpu.memory_space<semaphore_mem>>)
      %dma_wait3A_330 = arith.constant 0 : i32
      %dma_wait3A_331 = arith.constant 0 : i32
      %dma_wait3A_332 = arith.constant 0 : i32
      %dma_wait3A_333 = tpu.memref_slice %arg8[%dma_wait3A_331, %dma_wait3A_332] : memref<50x1024xf32, #tpu.memory_space<vmem>> -> memref<50x128xf32, #tpu.memory_space<vmem>>
      %dma_wait3A_334 = arith.constant 0 : i32
      %dma_wait3A_335 = tpu.memref_slice %arg6[%dma_wait3A_330, %dma_wait3A_334] : memref<8x50xi32, #tpu.memory_space<vmem>> -> memref<1x50xi32, #tpu.memory_space<vmem>>
      %dma_wait3A_336 = tpu.memref_squeeze %dma_wait3A_335 : memref<1x50xi32, #tpu.memory_space<vmem>> -> memref<50xi32, #tpu.memory_space<vmem>>
      %dma_wait3A_337 = arith.constant 0 : i32
      %dma_wait3A_338 = arith.constant 0 : i32
      %dma_wait3A_339 = tpu.memref_slice %arg2[%dma_wait3A_337, %dma_wait3A_338] : memref<8000x128xf32, #tpu.memory_space<hbm>> -> memref<8000x128xf32, #tpu.memory_space<hbm>>
      tpu.wait_indirect_dma semaphore(%arg13 : memref<!tpu.dma_semaphore, #tpu.memory_space<semaphore_mem>>) src(%dma_wait3A_339 : memref<8000x128xf32, #tpu.memory_space<hbm>>) dst(%dma_wait3A_333 : memref<50x128xf32, #tpu.memory_space<vmem>>)
      %dma_wait3A_340 = arith.constant 1 : i32
      %dma_wait3A_341 = arith.constant 0 : i32
      %dma_wait3A_342 = arith.constant 128 : i32
      %dma_wait3A_343 = tpu.memref_slice %arg8[%dma_wait3A_341, %dma_wait3A_342] : memref<50x1024xf32, #tpu.memory_space<vmem>> -> memref<50x128xf32, #tpu.memory_space<vmem>>
      %dma_wait3A_344 = arith.constant 0 : i32
      %dma_wait3A_345 = tpu.memref_slice %arg6[%dma_wait3A_340, %dma_wait3A_344] : memref<8x50xi32, #tpu.memory_space<vmem>> -> memref<1x50xi32, #tpu.memory_space<vmem>>
      %dma_wait3A_346 = tpu.memref_squeeze %dma_wait3A_345 : memref<1x50xi32, #tpu.memory_space<vmem>> -> memref<50xi32, #tpu.memory_space<vmem>>
      %dma_wait3A_347 = arith.constant 0 : i32
      %dma_wait3A_348 = arith.constant 0 : i32
      %dma_wait3A_349 = tpu.memref_slice %arg2[%dma_wait3A_347, %dma_wait3A_348] : memref<8000x128xf32, #tpu.memory_space<hbm>> -> memref<8000x128xf32, #tpu.memory_space<hbm>>
      tpu.wait_indirect_dma semaphore(%arg13 : memref<!tpu.dma_semaphore, #tpu.memory_space<semaphore_mem>>) src(%dma_wait3A_349 : memref<8000x128xf32, #tpu.memory_space<hbm>>) dst(%dma_wait3A_343 : memref<50x128xf32, #tpu.memory_space<vmem>>)
      %dma_wait3A_350 = arith.constant 2 : i32
      %dma_wait3A_351 = arith.constant 0 : i32
      %dma_wait3A_352 = arith.constant 256 : i32
      %dma_wait3A_353 = tpu.memref_slice %arg8[%dma_wait3A_351, %dma_wait3A_352] : memref<50x1024xf32, #tpu.memory_space<vmem>> -> memref<50x128xf32, #tpu.memory_space<vmem>>
      %dma_wait3A_354 = arith.constant 0 : i32
      %dma_wait3A_355 = tpu.memref_slice %arg6[%dma_wait3A_350, %dma_wait3A_354] : memref<8x50xi32, #tpu.memory_space<vmem>> -> memref<1x50xi32, #tpu.memory_space<vmem>>
      %dma_wait3A_356 = tpu.memref_squeeze %dma_wait3A_355 : memref<1x50xi32, #tpu.memory_space<vmem>> -> memref<50xi32, #tpu.memory_space<vmem>>
      %dma_wait3A_357 = arith.constant 0 : i32
      %dma_wait3A_358 = arith.constant 0 : i32
      %dma_wait3A_359 = tpu.memref_slice %arg2[%dma_wait3A_357, %dma_wait3A_358] : memref<8000x128xf32, #tpu.memory_space<hbm>> -> memref<8000x128xf32, #tpu.memory_space<hbm>>
      tpu.wait_indirect_dma semaphore(%arg13 : memref<!tpu.dma_semaphore, #tpu.memory_space<semaphore_mem>>) src(%dma_wait3A_359 : memref<8000x128xf32, #tpu.memory_space<hbm>>) dst(%dma_wait3A_353 : memref<50x128xf32, #tpu.memory_space<vmem>>)
      %dma_wait3A_360 = arith.constant 3 : i32
      %dma_wait3A_361 = arith.constant 0 : i32
      %dma_wait3A_362 = arith.constant 384 : i32
      %dma_wait3A_363 = tpu.memref_slice %arg8[%dma_wait3A_361, %dma_wait3A_362] : memref<50x1024xf32, #tpu.memory_space<vmem>> -> memref<50x128xf32, #tpu.memory_space<vmem>>
      %dma_wait3A_364 = arith.constant 0 : i32
      %dma_wait3A_365 = tpu.memref_slice %arg6[%dma_wait3A_360, %dma_wait3A_364] : memref<8x50xi32, #tpu.memory_space<vmem>> -> memref<1x50xi32, #tpu.memory_space<vmem>>
      %dma_wait3A_366 = tpu.memref_squeeze %dma_wait3A_365 : memref<1x50xi32, #tpu.memory_space<vmem>> -> memref<50xi32, #tpu.memory_space<vmem>>
      %dma_wait3A_367 = arith.constant 0 : i32
      %dma_wait3A_368 = arith.constant 0 : i32
      %dma_wait3A_369 = tpu.memref_slice %arg2[%dma_wait3A_367, %dma_wait3A_368] : memref<8000x128xf32, #tpu.memory_space<hbm>> -> memref<8000x128xf32, #tpu.memory_space<hbm>>
      tpu.wait_indirect_dma semaphore(%arg13 : memref<!tpu.dma_semaphore, #tpu.memory_space<semaphore_mem>>) src(%dma_wait3A_369 : memref<8000x128xf32, #tpu.memory_space<hbm>>) dst(%dma_wait3A_363 : memref<50x128xf32, #tpu.memory_space<vmem>>)
      %dma_wait3A_370 = arith.constant 4 : i32
      %dma_wait3A_371 = arith.constant 0 : i32
      %dma_wait3A_372 = arith.constant 512 : i32
      %dma_wait3A_373 = tpu.memref_slice %arg8[%dma_wait3A_371, %dma_wait3A_372] : memref<50x1024xf32, #tpu.memory_space<vmem>> -> memref<50x128xf32, #tpu.memory_space<vmem>>
      %dma_wait3A_374 = arith.constant 0 : i32
      %dma_wait3A_375 = tpu.memref_slice %arg6[%dma_wait3A_370, %dma_wait3A_374] : memref<8x50xi32, #tpu.memory_space<vmem>> -> memref<1x50xi32, #tpu.memory_space<vmem>>
      %dma_wait3A_376 = tpu.memref_squeeze %dma_wait3A_375 : memref<1x50xi32, #tpu.memory_space<vmem>> -> memref<50xi32, #tpu.memory_space<vmem>>
      %dma_wait3A_377 = arith.constant 0 : i32
      %dma_wait3A_378 = arith.constant 0 : i32
      %dma_wait3A_379 = tpu.memref_slice %arg2[%dma_wait3A_377, %dma_wait3A_378] : memref<8000x128xf32, #tpu.memory_space<hbm>> -> memref<8000x128xf32, #tpu.memory_space<hbm>>
      tpu.wait_indirect_dma semaphore(%arg13 : memref<!tpu.dma_semaphore, #tpu.memory_space<semaphore_mem>>) src(%dma_wait3A_379 : memref<8000x128xf32, #tpu.memory_space<hbm>>) dst(%dma_wait3A_373 : memref<50x128xf32, #tpu.memory_space<vmem>>)
      %dma_wait3A_380 = arith.constant 5 : i32
      %dma_wait3A_381 = arith.constant 0 : i32
      %dma_wait3A_382 = arith.constant 640 : i32
      %dma_wait3A_383 = tpu.memref_slice %arg8[%dma_wait3A_381, %dma_wait3A_382] : memref<50x1024xf32, #tpu.memory_space<vmem>> -> memref<50x128xf32, #tpu.memory_space<vmem>>
      %dma_wait3A_384 = arith.constant 0 : i32
      %dma_wait3A_385 = tpu.memref_slice %arg6[%dma_wait3A_380, %dma_wait3A_384] : memref<8x50xi32, #tpu.memory_space<vmem>> -> memref<1x50xi32, #tpu.memory_space<vmem>>
      %dma_wait3A_386 = tpu.memref_squeeze %dma_wait3A_385 : memref<1x50xi32, #tpu.memory_space<vmem>> -> memref<50xi32, #tpu.memory_space<vmem>>
      %dma_wait3A_387 = arith.constant 0 : i32
      %dma_wait3A_388 = arith.constant 0 : i32
      %dma_wait3A_389 = tpu.memref_slice %arg2[%dma_wait3A_387, %dma_wait3A_388] : memref<8000x128xf32, #tpu.memory_space<hbm>> -> memref<8000x128xf32, #tpu.memory_space<hbm>>
      tpu.wait_indirect_dma semaphore(%arg13 : memref<!tpu.dma_semaphore, #tpu.memory_space<semaphore_mem>>) src(%dma_wait3A_389 : memref<8000x128xf32, #tpu.memory_space<hbm>>) dst(%dma_wait3A_383 : memref<50x128xf32, #tpu.memory_space<vmem>>)
      %dma_wait3A_390 = arith.constant 6 : i32
      %dma_wait3A_391 = arith.constant 0 : i32
      %dma_wait3A_392 = arith.constant 768 : i32
      %dma_wait3A_393 = tpu.memref_slice %arg8[%dma_wait3A_391, %dma_wait3A_392] : memref<50x1024xf32, #tpu.memory_space<vmem>> -> memref<50x128xf32, #tpu.memory_space<vmem>>
      %dma_wait3A_394 = arith.constant 0 : i32
      %dma_wait3A_395 = tpu.memref_slice %arg6[%dma_wait3A_390, %dma_wait3A_394] : memref<8x50xi32, #tpu.memory_space<vmem>> -> memref<1x50xi32, #tpu.memory_space<vmem>>
      %dma_wait3A_396 = tpu.memref_squeeze %dma_wait3A_395 : memref<1x50xi32, #tpu.memory_space<vmem>> -> memref<50xi32, #tpu.memory_space<vmem>>
      %dma_wait3A_397 = arith.constant 0 : i32
      %dma_wait3A_398 = arith.constant 0 : i32
      %dma_wait3A_399 = tpu.memref_slice %arg2[%dma_wait3A_397, %dma_wait3A_398] : memref<8000x128xf32, #tpu.memory_space<hbm>> -> memref<8000x128xf32, #tpu.memory_space<hbm>>
      tpu.wait_indirect_dma semaphore(%arg13 : memref<!tpu.dma_semaphore, #tpu.memory_space<semaphore_mem>>) src(%dma_wait3A_399 : memref<8000x128xf32, #tpu.memory_space<hbm>>) dst(%dma_wait3A_393 : memref<50x128xf32, #tpu.memory_space<vmem>>)
      %dma_wait3A_400 = arith.constant 7 : i32
      %dma_wait3A_401 = arith.constant 0 : i32
      %dma_wait3A_402 = arith.constant 896 : i32
      %dma_wait3A_403 = tpu.memref_slice %arg8[%dma_wait3A_401, %dma_wait3A_402] : memref<50x1024xf32, #tpu.memory_space<vmem>> -> memref<50x128xf32, #tpu.memory_space<vmem>>
      %dma_wait3A_404 = arith.constant 0 : i32
      %dma_wait3A_405 = tpu.memref_slice %arg6[%dma_wait3A_400, %dma_wait3A_404] : memref<8x50xi32, #tpu.memory_space<vmem>> -> memref<1x50xi32, #tpu.memory_space<vmem>>
      %dma_wait3A_406 = tpu.memref_squeeze %dma_wait3A_405 : memref<1x50xi32, #tpu.memory_space<vmem>> -> memref<50xi32, #tpu.memory_space<vmem>>
      %dma_wait3A_407 = arith.constant 0 : i32
      %dma_wait3A_408 = arith.constant 0 : i32
      %dma_wait3A_409 = tpu.memref_slice %arg2[%dma_wait3A_407, %dma_wait3A_408] : memref<8000x128xf32, #tpu.memory_space<hbm>> -> memref<8000x128xf32, #tpu.memory_space<hbm>>
      tpu.wait_indirect_dma semaphore(%arg13 : memref<!tpu.dma_semaphore, #tpu.memory_space<semaphore_mem>>) src(%dma_wait3A_409 : memref<8000x128xf32, #tpu.memory_space<hbm>>) dst(%dma_wait3A_403 : memref<50x128xf32, #tpu.memory_space<vmem>>)
      %add3A_410 = arith.addi %mul3A_2, %mul3A_230 : i32
      %dma_start3A_411 = arith.constant 0 : i32
      %dma_start3A_412 = arith.constant 0 : i32
      %dma_start3A_413 = tpu.memref_slice %arg4[%add3A_410, %dma_start3A_411, %dma_start3A_412] : memref<1024x50x1024xf32, #tpu.memory_space<hbm>> -> memref<1x50x1024xf32, #tpu.memory_space<hbm>>
      %dma_start3A_414 = tpu.memref_squeeze %dma_start3A_413 : memref<1x50x1024xf32, #tpu.memory_space<hbm>> -> memref<50x1024xf32, #tpu.memory_space<hbm>>
      %dma_start3A_415 = arith.constant 0 : i32
      %dma_start3A_416 = arith.constant 0 : i32
      %dma_start3A_417 = tpu.memref_slice %arg4[%add3A_410, %dma_start3A_415, %dma_start3A_416] : memref<1024x50x1024xf32, #tpu.memory_space<hbm>> -> memref<1x50x1024xf32, #tpu.memory_space<hbm>>
      %dma_start3A_418 = tpu.memref_squeeze %dma_start3A_417 : memref<1x50x1024xf32, #tpu.memory_space<hbm>> -> memref<50x1024xf32, #tpu.memory_space<hbm>>
      tpu.enqueue_dma source(%arg8 : memref<50x1024xf32, #tpu.memory_space<vmem>>) target(%dma_start3A_418 : memref<50x1024xf32, #tpu.memory_space<hbm>>) target_semaphore(%arg15 : memref<!tpu.dma_semaphore, #tpu.memory_space<semaphore_mem>>)
      %scan3A_419 = arith.constant 0 : i32
      %scan3A_420 = arith.constant 50 : i32
      %scan3A_421 = arith.addi %scan3A_419, %scan3A_420 : i32
      %scan3A_422 = arith.constant 1 : i32
      %scan3A_423 = scf.for %scan3A_640 = %scan3A_419 to %scan3A_421 step %scan3A_422 iter_args(%scan3A_641 = %scan3A_228) -> (vector<16xf32>)  : i32 {
        %get3A = arith.index_cast %scan3A_640 : i32 to index
        %get3A_642 = arith.constant 1000 : index
        %get3A_643 = tpu.vector_load %arg8[%get3A, %get3A_642] {strides = array<i32>} : memref<50x1024xf32, #tpu.memory_space<vmem>>, vector<1x16xf32>,
        %get3A_644 = vector.shape_cast %get3A_643 : vector<1x16xf32> to vector<16xf32>
        %add3A_645 = arith.addf %scan3A_641, %get3A_644 : vector<16xf32>
        scf.yield %add3A_645 : vector<16xf32>
      }
      %scan3A_424 = arith.constant 50 : i32
      %add3A_425 = arith.constant 2 : i32
      %add3A_426 = arith.addi %mul3A_230, %add3A_425 : i32
      %min3A = arith.constant 30 : i32
      %min3A_427 = arith.minsi %add3A_426, %min3A : i32
      %dma_start3A_428 = arith.constant 0 : i32
      %dma_start3A_429 = arith.constant 0 : i32
      %dma_start3A_430 = tpu.memref_slice %arg3[%add3A, %min3A_427, %dma_start3A_428, %dma_start3A_429] : memref<32x32x8x50xi32, #tpu.memory_space<hbm>> -> memref<1x1x8x50xi32, #tpu.memory_space<hbm>>
      %dma_start3A_431 = tpu.memref_squeeze %dma_start3A_430 : memref<1x1x8x50xi32, #tpu.memory_space<hbm>> -> memref<8x50xi32, #tpu.memory_space<hbm>>
      %dma_start3A_432 = arith.constant 0 : i32
      %dma_start3A_433 = arith.constant 0 : i32
      %dma_start3A_434 = tpu.memref_slice %arg3[%add3A, %min3A_427, %dma_start3A_432, %dma_start3A_433] : memref<32x32x8x50xi32, #tpu.memory_space<hbm>> -> memref<1x1x8x50xi32, #tpu.memory_space<hbm>>
      %dma_start3A_435 = tpu.memref_squeeze %dma_start3A_434 : memref<1x1x8x50xi32, #tpu.memory_space<hbm>> -> memref<8x50xi32, #tpu.memory_space<hbm>>
      tpu.enqueue_dma source(%dma_start3A_435 : memref<8x50xi32, #tpu.memory_space<hbm>>) target(%arg6 : memref<8x50xi32, #tpu.memory_space<vmem>>) target_semaphore(%arg11 : memref<!tpu.dma_semaphore, #tpu.memory_space<semaphore_mem>>)
      %dma_wait3A_436 = arith.constant 0 : i32
      %dma_wait3A_437 = arith.constant 0 : i32
      %dma_wait3A_438 = tpu.memref_slice %arg3[%add3A, %mul3A_230, %dma_wait3A_436, %dma_wait3A_437] : memref<32x32x8x50xi32, #tpu.memory_space<hbm>> -> memref<1x1x8x50xi32, #tpu.memory_space<hbm>>
      %dma_wait3A_439 = tpu.memref_squeeze %dma_wait3A_438 : memref<1x1x8x50xi32, #tpu.memory_space<hbm>> -> memref<8x50xi32, #tpu.memory_space<hbm>>
      %dma_wait3A_440 = arith.constant 0 : i32
      %dma_wait3A_441 = arith.constant 0 : i32
      %dma_wait3A_442 = tpu.memref_slice %arg3[%add3A, %mul3A_230, %dma_wait3A_440, %dma_wait3A_441] : memref<32x32x8x50xi32, #tpu.memory_space<hbm>> -> memref<1x1x8x50xi32, #tpu.memory_space<hbm>>
      %dma_wait3A_443 = tpu.memref_squeeze %dma_wait3A_442 : memref<1x1x8x50xi32, #tpu.memory_space<hbm>> -> memref<8x50xi32, #tpu.memory_space<hbm>>
      tpu.wait_dma2 semaphore(%arg11 : memref<!tpu.dma_semaphore, #tpu.memory_space<semaphore_mem>>) src(%dma_wait3A_443 : memref<8x50xi32, #tpu.memory_space<hbm>>) dst(%arg6 : memref<8x50xi32, #tpu.memory_space<vmem>>)
      %add3A_444 = arith.addi %mul3A_2, %mul3A_230 : i32
      %dma_wait3A_445 = arith.constant 0 : i32
      %dma_wait3A_446 = arith.constant 0 : i32
      %dma_wait3A_447 = tpu.memref_slice %arg4[%add3A_444, %dma_wait3A_445, %dma_wait3A_446] : memref<1024x50x1024xf32, #tpu.memory_space<hbm>> -> memref<1x50x1024xf32, #tpu.memory_space<hbm>>
      %dma_wait3A_448 = tpu.memref_squeeze %dma_wait3A_447 : memref<1x50x1024xf32, #tpu.memory_space<hbm>> -> memref<50x1024xf32, #tpu.memory_space<hbm>>
      %dma_wait3A_449 = arith.constant 0 : i32
      %dma_wait3A_450 = arith.constant 0 : i32
      %dma_wait3A_451 = tpu.memref_slice %arg4[%add3A_444, %dma_wait3A_449, %dma_wait3A_450] : memref<1024x50x1024xf32, #tpu.memory_space<hbm>> -> memref<1x50x1024xf32, #tpu.memory_space<hbm>>
      %dma_wait3A_452 = tpu.memref_squeeze %dma_wait3A_451 : memref<1x50x1024xf32, #tpu.memory_space<hbm>> -> memref<50x1024xf32, #tpu.memory_space<hbm>>
      tpu.wait_dma2 semaphore(%arg15 : memref<!tpu.dma_semaphore, #tpu.memory_space<semaphore_mem>>) src(%arg8 : memref<50x1024xf32, #tpu.memory_space<vmem>>) dst(%dma_wait3A_452 : memref<50x1024xf32, #tpu.memory_space<hbm>>)
      %dma_start3A_453 = arith.constant 0 : i32
      %dma_start3A_454 = arith.constant 0 : i32
      %dma_start3A_455 = arith.constant 0 : i32
      %dma_start3A_456 = tpu.memref_slice %arg8[%dma_start3A_454, %dma_start3A_455] : memref<50x1024xf32, #tpu.memory_space<vmem>> -> memref<50x128xf32, #tpu.memory_space<vmem>>
      %dma_start3A_457 = arith.constant 0 : i32
      %dma_start3A_458 = tpu.memref_slice %arg6[%dma_start3A_453, %dma_start3A_457] : memref<8x50xi32, #tpu.memory_space<vmem>> -> memref<1x50xi32, #tpu.memory_space<vmem>>
      %dma_start3A_459 = tpu.memref_squeeze %dma_start3A_458 : memref<1x50xi32, #tpu.memory_space<vmem>> -> memref<50xi32, #tpu.memory_space<vmem>>
      %dma_start3A_460 = arith.constant 0 : i32
      %dma_start3A_461 = arith.constant 0 : i32
      %dma_start3A_462 = tpu.memref_slice %arg2[%dma_start3A_460, %dma_start3A_461] : memref<8000x128xf32, #tpu.memory_space<hbm>> -> memref<8000x128xf32, #tpu.memory_space<hbm>>
      tpu.enqueue_indirect_dma source(%dma_start3A_462 : memref<8000x128xf32, #tpu.memory_space<hbm>>) target(%dma_start3A_456 : memref<50x128xf32, #tpu.memory_space<vmem>>) offsets(%dma_start3A_459 : memref<50xi32, #tpu.memory_space<vmem>>) semaphore(%arg13 : memref<!tpu.dma_semaphore, #tpu.memory_space<semaphore_mem>>)
      %dma_start3A_463 = arith.constant 1 : i32
      %dma_start3A_464 = arith.constant 0 : i32
      %dma_start3A_465 = arith.constant 128 : i32
      %dma_start3A_466 = tpu.memref_slice %arg8[%dma_start3A_464, %dma_start3A_465] : memref<50x1024xf32, #tpu.memory_space<vmem>> -> memref<50x128xf32, #tpu.memory_space<vmem>>
      %dma_start3A_467 = arith.constant 0 : i32
      %dma_start3A_468 = tpu.memref_slice %arg6[%dma_start3A_463, %dma_start3A_467] : memref<8x50xi32, #tpu.memory_space<vmem>> -> memref<1x50xi32, #tpu.memory_space<vmem>>
      %dma_start3A_469 = tpu.memref_squeeze %dma_start3A_468 : memref<1x50xi32, #tpu.memory_space<vmem>> -> memref<50xi32, #tpu.memory_space<vmem>>
      %dma_start3A_470 = arith.constant 0 : i32
      %dma_start3A_471 = arith.constant 0 : i32
      %dma_start3A_472 = tpu.memref_slice %arg2[%dma_start3A_470, %dma_start3A_471] : memref<8000x128xf32, #tpu.memory_space<hbm>> -> memref<8000x128xf32, #tpu.memory_space<hbm>>
      tpu.enqueue_indirect_dma source(%dma_start3A_472 : memref<8000x128xf32, #tpu.memory_space<hbm>>) target(%dma_start3A_466 : memref<50x128xf32, #tpu.memory_space<vmem>>) offsets(%dma_start3A_469 : memref<50xi32, #tpu.memory_space<vmem>>) semaphore(%arg13 : memref<!tpu.dma_semaphore, #tpu.memory_space<semaphore_mem>>)
      %dma_start3A_473 = arith.constant 2 : i32
      %dma_start3A_474 = arith.constant 0 : i32
      %dma_start3A_475 = arith.constant 256 : i32
      %dma_start3A_476 = tpu.memref_slice %arg8[%dma_start3A_474, %dma_start3A_475] : memref<50x1024xf32, #tpu.memory_space<vmem>> -> memref<50x128xf32, #tpu.memory_space<vmem>>
      %dma_start3A_477 = arith.constant 0 : i32
      %dma_start3A_478 = tpu.memref_slice %arg6[%dma_start3A_473, %dma_start3A_477] : memref<8x50xi32, #tpu.memory_space<vmem>> -> memref<1x50xi32, #tpu.memory_space<vmem>>
      %dma_start3A_479 = tpu.memref_squeeze %dma_start3A_478 : memref<1x50xi32, #tpu.memory_space<vmem>> -> memref<50xi32, #tpu.memory_space<vmem>>
      %dma_start3A_480 = arith.constant 0 : i32
      %dma_start3A_481 = arith.constant 0 : i32
      %dma_start3A_482 = tpu.memref_slice %arg2[%dma_start3A_480, %dma_start3A_481] : memref<8000x128xf32, #tpu.memory_space<hbm>> -> memref<8000x128xf32, #tpu.memory_space<hbm>>
      tpu.enqueue_indirect_dma source(%dma_start3A_482 : memref<8000x128xf32, #tpu.memory_space<hbm>>) target(%dma_start3A_476 : memref<50x128xf32, #tpu.memory_space<vmem>>) offsets(%dma_start3A_479 : memref<50xi32, #tpu.memory_space<vmem>>) semaphore(%arg13 : memref<!tpu.dma_semaphore, #tpu.memory_space<semaphore_mem>>)
      %dma_start3A_483 = arith.constant 3 : i32
      %dma_start3A_484 = arith.constant 0 : i32
      %dma_start3A_485 = arith.constant 384 : i32
      %dma_start3A_486 = tpu.memref_slice %arg8[%dma_start3A_484, %dma_start3A_485] : memref<50x1024xf32, #tpu.memory_space<vmem>> -> memref<50x128xf32, #tpu.memory_space<vmem>>
      %dma_start3A_487 = arith.constant 0 : i32
      %dma_start3A_488 = tpu.memref_slice %arg6[%dma_start3A_483, %dma_start3A_487] : memref<8x50xi32, #tpu.memory_space<vmem>> -> memref<1x50xi32, #tpu.memory_space<vmem>>
      %dma_start3A_489 = tpu.memref_squeeze %dma_start3A_488 : memref<1x50xi32, #tpu.memory_space<vmem>> -> memref<50xi32, #tpu.memory_space<vmem>>
      %dma_start3A_490 = arith.constant 0 : i32
      %dma_start3A_491 = arith.constant 0 : i32
      %dma_start3A_492 = tpu.memref_slice %arg2[%dma_start3A_490, %dma_start3A_491] : memref<8000x128xf32, #tpu.memory_space<hbm>> -> memref<8000x128xf32, #tpu.memory_space<hbm>>
      tpu.enqueue_indirect_dma source(%dma_start3A_492 : memref<8000x128xf32, #tpu.memory_space<hbm>>) target(%dma_start3A_486 : memref<50x128xf32, #tpu.memory_space<vmem>>) offsets(%dma_start3A_489 : memref<50xi32, #tpu.memory_space<vmem>>) semaphore(%arg13 : memref<!tpu.dma_semaphore, #tpu.memory_space<semaphore_mem>>)
      %dma_start3A_493 = arith.constant 4 : i32
      %dma_start3A_494 = arith.constant 0 : i32
      %dma_start3A_495 = arith.constant 512 : i32
      %dma_start3A_496 = tpu.memref_slice %arg8[%dma_start3A_494, %dma_start3A_495] : memref<50x1024xf32, #tpu.memory_space<vmem>> -> memref<50x128xf32, #tpu.memory_space<vmem>>
      %dma_start3A_497 = arith.constant 0 : i32
      %dma_start3A_498 = tpu.memref_slice %arg6[%dma_start3A_493, %dma_start3A_497] : memref<8x50xi32, #tpu.memory_space<vmem>> -> memref<1x50xi32, #tpu.memory_space<vmem>>
      %dma_start3A_499 = tpu.memref_squeeze %dma_start3A_498 : memref<1x50xi32, #tpu.memory_space<vmem>> -> memref<50xi32, #tpu.memory_space<vmem>>
      %dma_start3A_500 = arith.constant 0 : i32
      %dma_start3A_501 = arith.constant 0 : i32
      %dma_start3A_502 = tpu.memref_slice %arg2[%dma_start3A_500, %dma_start3A_501] : memref<8000x128xf32, #tpu.memory_space<hbm>> -> memref<8000x128xf32, #tpu.memory_space<hbm>>
      tpu.enqueue_indirect_dma source(%dma_start3A_502 : memref<8000x128xf32, #tpu.memory_space<hbm>>) target(%dma_start3A_496 : memref<50x128xf32, #tpu.memory_space<vmem>>) offsets(%dma_start3A_499 : memref<50xi32, #tpu.memory_space<vmem>>) semaphore(%arg13 : memref<!tpu.dma_semaphore, #tpu.memory_space<semaphore_mem>>)
      %dma_start3A_503 = arith.constant 5 : i32
      %dma_start3A_504 = arith.constant 0 : i32
      %dma_start3A_505 = arith.constant 640 : i32
      %dma_start3A_506 = tpu.memref_slice %arg8[%dma_start3A_504, %dma_start3A_505] : memref<50x1024xf32, #tpu.memory_space<vmem>> -> memref<50x128xf32, #tpu.memory_space<vmem>>
      %dma_start3A_507 = arith.constant 0 : i32
      %dma_start3A_508 = tpu.memref_slice %arg6[%dma_start3A_503, %dma_start3A_507] : memref<8x50xi32, #tpu.memory_space<vmem>> -> memref<1x50xi32, #tpu.memory_space<vmem>>
      %dma_start3A_509 = tpu.memref_squeeze %dma_start3A_508 : memref<1x50xi32, #tpu.memory_space<vmem>> -> memref<50xi32, #tpu.memory_space<vmem>>
      %dma_start3A_510 = arith.constant 0 : i32
      %dma_start3A_511 = arith.constant 0 : i32
      %dma_start3A_512 = tpu.memref_slice %arg2[%dma_start3A_510, %dma_start3A_511] : memref<8000x128xf32, #tpu.memory_space<hbm>> -> memref<8000x128xf32, #tpu.memory_space<hbm>>
      tpu.enqueue_indirect_dma source(%dma_start3A_512 : memref<8000x128xf32, #tpu.memory_space<hbm>>) target(%dma_start3A_506 : memref<50x128xf32, #tpu.memory_space<vmem>>) offsets(%dma_start3A_509 : memref<50xi32, #tpu.memory_space<vmem>>) semaphore(%arg13 : memref<!tpu.dma_semaphore, #tpu.memory_space<semaphore_mem>>)
      %dma_start3A_513 = arith.constant 6 : i32
      %dma_start3A_514 = arith.constant 0 : i32
      %dma_start3A_515 = arith.constant 768 : i32
      %dma_start3A_516 = tpu.memref_slice %arg8[%dma_start3A_514, %dma_start3A_515] : memref<50x1024xf32, #tpu.memory_space<vmem>> -> memref<50x128xf32, #tpu.memory_space<vmem>>
      %dma_start3A_517 = arith.constant 0 : i32
      %dma_start3A_518 = tpu.memref_slice %arg6[%dma_start3A_513, %dma_start3A_517] : memref<8x50xi32, #tpu.memory_space<vmem>> -> memref<1x50xi32, #tpu.memory_space<vmem>>
      %dma_start3A_519 = tpu.memref_squeeze %dma_start3A_518 : memref<1x50xi32, #tpu.memory_space<vmem>> -> memref<50xi32, #tpu.memory_space<vmem>>
      %dma_start3A_520 = arith.constant 0 : i32
      %dma_start3A_521 = arith.constant 0 : i32
      %dma_start3A_522 = tpu.memref_slice %arg2[%dma_start3A_520, %dma_start3A_521] : memref<8000x128xf32, #tpu.memory_space<hbm>> -> memref<8000x128xf32, #tpu.memory_space<hbm>>
      tpu.enqueue_indirect_dma source(%dma_start3A_522 : memref<8000x128xf32, #tpu.memory_space<hbm>>) target(%dma_start3A_516 : memref<50x128xf32, #tpu.memory_space<vmem>>) offsets(%dma_start3A_519 : memref<50xi32, #tpu.memory_space<vmem>>) semaphore(%arg13 : memref<!tpu.dma_semaphore, #tpu.memory_space<semaphore_mem>>)
      %dma_start3A_523 = arith.constant 7 : i32
      %dma_start3A_524 = arith.constant 0 : i32
      %dma_start3A_525 = arith.constant 896 : i32
      %dma_start3A_526 = tpu.memref_slice %arg8[%dma_start3A_524, %dma_start3A_525] : memref<50x1024xf32, #tpu.memory_space<vmem>> -> memref<50x128xf32, #tpu.memory_space<vmem>>
      %dma_start3A_527 = arith.constant 0 : i32
      %dma_start3A_528 = tpu.memref_slice %arg6[%dma_start3A_523, %dma_start3A_527] : memref<8x50xi32, #tpu.memory_space<vmem>> -> memref<1x50xi32, #tpu.memory_space<vmem>>
      %dma_start3A_529 = tpu.memref_squeeze %dma_start3A_528 : memref<1x50xi32, #tpu.memory_space<vmem>> -> memref<50xi32, #tpu.memory_space<vmem>>
      %dma_start3A_530 = arith.constant 0 : i32
      %dma_start3A_531 = arith.constant 0 : i32
      %dma_start3A_532 = tpu.memref_slice %arg2[%dma_start3A_530, %dma_start3A_531] : memref<8000x128xf32, #tpu.memory_space<hbm>> -> memref<8000x128xf32, #tpu.memory_space<hbm>>
      tpu.enqueue_indirect_dma source(%dma_start3A_532 : memref<8000x128xf32, #tpu.memory_space<hbm>>) target(%dma_start3A_526 : memref<50x128xf32, #tpu.memory_space<vmem>>) offsets(%dma_start3A_529 : memref<50xi32, #tpu.memory_space<vmem>>) semaphore(%arg13 : memref<!tpu.dma_semaphore, #tpu.memory_space<semaphore_mem>>)
      %dma_wait3A_533 = arith.constant 0 : i32
      %dma_wait3A_534 = arith.constant 0 : i32
      %dma_wait3A_535 = arith.constant 0 : i32
      %dma_wait3A_536 = tpu.memref_slice %arg9[%dma_wait3A_534, %dma_wait3A_535] : memref<50x1024xf32, #tpu.memory_space<vmem>> -> memref<50x128xf32, #tpu.memory_space<vmem>>
      %dma_wait3A_537 = arith.constant 0 : i32
      %dma_wait3A_538 = tpu.memref_slice %arg7[%dma_wait3A_533, %dma_wait3A_537] : memref<8x50xi32, #tpu.memory_space<vmem>> -> memref<1x50xi32, #tpu.memory_space<vmem>>
      %dma_wait3A_539 = tpu.memref_squeeze %dma_wait3A_538 : memref<1x50xi32, #tpu.memory_space<vmem>> -> memref<50xi32, #tpu.memory_space<vmem>>
      %dma_wait3A_540 = arith.constant 0 : i32
      %dma_wait3A_541 = arith.constant 0 : i32
      %dma_wait3A_542 = tpu.memref_slice %arg2[%dma_wait3A_540, %dma_wait3A_541] : memref<8000x128xf32, #tpu.memory_space<hbm>> -> memref<8000x128xf32, #tpu.memory_space<hbm>>
      tpu.wait_indirect_dma semaphore(%arg14 : memref<!tpu.dma_semaphore, #tpu.memory_space<semaphore_mem>>) src(%dma_wait3A_542 : memref<8000x128xf32, #tpu.memory_space<hbm>>) dst(%dma_wait3A_536 : memref<50x128xf32, #tpu.memory_space<vmem>>)
      %dma_wait3A_543 = arith.constant 1 : i32
      %dma_wait3A_544 = arith.constant 0 : i32
      %dma_wait3A_545 = arith.constant 128 : i32
      %dma_wait3A_546 = tpu.memref_slice %arg9[%dma_wait3A_544, %dma_wait3A_545] : memref<50x1024xf32, #tpu.memory_space<vmem>> -> memref<50x128xf32, #tpu.memory_space<vmem>>
      %dma_wait3A_547 = arith.constant 0 : i32
      %dma_wait3A_548 = tpu.memref_slice %arg7[%dma_wait3A_543, %dma_wait3A_547] : memref<8x50xi32, #tpu.memory_space<vmem>> -> memref<1x50xi32, #tpu.memory_space<vmem>>
      %dma_wait3A_549 = tpu.memref_squeeze %dma_wait3A_548 : memref<1x50xi32, #tpu.memory_space<vmem>> -> memref<50xi32, #tpu.memory_space<vmem>>
      %dma_wait3A_550 = arith.constant 0 : i32
      %dma_wait3A_551 = arith.constant 0 : i32
      %dma_wait3A_552 = tpu.memref_slice %arg2[%dma_wait3A_550, %dma_wait3A_551] : memref<8000x128xf32, #tpu.memory_space<hbm>> -> memref<8000x128xf32, #tpu.memory_space<hbm>>
      tpu.wait_indirect_dma semaphore(%arg14 : memref<!tpu.dma_semaphore, #tpu.memory_space<semaphore_mem>>) src(%dma_wait3A_552 : memref<8000x128xf32, #tpu.memory_space<hbm>>) dst(%dma_wait3A_546 : memref<50x128xf32, #tpu.memory_space<vmem>>)
      %dma_wait3A_553 = arith.constant 2 : i32
      %dma_wait3A_554 = arith.constant 0 : i32
      %dma_wait3A_555 = arith.constant 256 : i32
      %dma_wait3A_556 = tpu.memref_slice %arg9[%dma_wait3A_554, %dma_wait3A_555] : memref<50x1024xf32, #tpu.memory_space<vmem>> -> memref<50x128xf32, #tpu.memory_space<vmem>>
      %dma_wait3A_557 = arith.constant 0 : i32
      %dma_wait3A_558 = tpu.memref_slice %arg7[%dma_wait3A_553, %dma_wait3A_557] : memref<8x50xi32, #tpu.memory_space<vmem>> -> memref<1x50xi32, #tpu.memory_space<vmem>>
      %dma_wait3A_559 = tpu.memref_squeeze %dma_wait3A_558 : memref<1x50xi32, #tpu.memory_space<vmem>> -> memref<50xi32, #tpu.memory_space<vmem>>
      %dma_wait3A_560 = arith.constant 0 : i32
      %dma_wait3A_561 = arith.constant 0 : i32
      %dma_wait3A_562 = tpu.memref_slice %arg2[%dma_wait3A_560, %dma_wait3A_561] : memref<8000x128xf32, #tpu.memory_space<hbm>> -> memref<8000x128xf32, #tpu.memory_space<hbm>>
      tpu.wait_indirect_dma semaphore(%arg14 : memref<!tpu.dma_semaphore, #tpu.memory_space<semaphore_mem>>) src(%dma_wait3A_562 : memref<8000x128xf32, #tpu.memory_space<hbm>>) dst(%dma_wait3A_556 : memref<50x128xf32, #tpu.memory_space<vmem>>)
      %dma_wait3A_563 = arith.constant 3 : i32
      %dma_wait3A_564 = arith.constant 0 : i32
      %dma_wait3A_565 = arith.constant 384 : i32
      %dma_wait3A_566 = tpu.memref_slice %arg9[%dma_wait3A_564, %dma_wait3A_565] : memref<50x1024xf32, #tpu.memory_space<vmem>> -> memref<50x128xf32, #tpu.memory_space<vmem>>
      %dma_wait3A_567 = arith.constant 0 : i32
      %dma_wait3A_568 = tpu.memref_slice %arg7[%dma_wait3A_563, %dma_wait3A_567] : memref<8x50xi32, #tpu.memory_space<vmem>> -> memref<1x50xi32, #tpu.memory_space<vmem>>
      %dma_wait3A_569 = tpu.memref_squeeze %dma_wait3A_568 : memref<1x50xi32, #tpu.memory_space<vmem>> -> memref<50xi32, #tpu.memory_space<vmem>>
      %dma_wait3A_570 = arith.constant 0 : i32
      %dma_wait3A_571 = arith.constant 0 : i32
      %dma_wait3A_572 = tpu.memref_slice %arg2[%dma_wait3A_570, %dma_wait3A_571] : memref<8000x128xf32, #tpu.memory_space<hbm>> -> memref<8000x128xf32, #tpu.memory_space<hbm>>
      tpu.wait_indirect_dma semaphore(%arg14 : memref<!tpu.dma_semaphore, #tpu.memory_space<semaphore_mem>>) src(%dma_wait3A_572 : memref<8000x128xf32, #tpu.memory_space<hbm>>) dst(%dma_wait3A_566 : memref<50x128xf32, #tpu.memory_space<vmem>>)
      %dma_wait3A_573 = arith.constant 4 : i32
      %dma_wait3A_574 = arith.constant 0 : i32
      %dma_wait3A_575 = arith.constant 512 : i32
      %dma_wait3A_576 = tpu.memref_slice %arg9[%dma_wait3A_574, %dma_wait3A_575] : memref<50x1024xf32, #tpu.memory_space<vmem>> -> memref<50x128xf32, #tpu.memory_space<vmem>>
      %dma_wait3A_577 = arith.constant 0 : i32
      %dma_wait3A_578 = tpu.memref_slice %arg7[%dma_wait3A_573, %dma_wait3A_577] : memref<8x50xi32, #tpu.memory_space<vmem>> -> memref<1x50xi32, #tpu.memory_space<vmem>>
      %dma_wait3A_579 = tpu.memref_squeeze %dma_wait3A_578 : memref<1x50xi32, #tpu.memory_space<vmem>> -> memref<50xi32, #tpu.memory_space<vmem>>
      %dma_wait3A_580 = arith.constant 0 : i32
      %dma_wait3A_581 = arith.constant 0 : i32
      %dma_wait3A_582 = tpu.memref_slice %arg2[%dma_wait3A_580, %dma_wait3A_581] : memref<8000x128xf32, #tpu.memory_space<hbm>> -> memref<8000x128xf32, #tpu.memory_space<hbm>>
      tpu.wait_indirect_dma semaphore(%arg14 : memref<!tpu.dma_semaphore, #tpu.memory_space<semaphore_mem>>) src(%dma_wait3A_582 : memref<8000x128xf32, #tpu.memory_space<hbm>>) dst(%dma_wait3A_576 : memref<50x128xf32, #tpu.memory_space<vmem>>)
      %dma_wait3A_583 = arith.constant 5 : i32
      %dma_wait3A_584 = arith.constant 0 : i32
      %dma_wait3A_585 = arith.constant 640 : i32
      %dma_wait3A_586 = tpu.memref_slice %arg9[%dma_wait3A_584, %dma_wait3A_585] : memref<50x1024xf32, #tpu.memory_space<vmem>> -> memref<50x128xf32, #tpu.memory_space<vmem>>
      %dma_wait3A_587 = arith.constant 0 : i32
      %dma_wait3A_588 = tpu.memref_slice %arg7[%dma_wait3A_583, %dma_wait3A_587] : memref<8x50xi32, #tpu.memory_space<vmem>> -> memref<1x50xi32, #tpu.memory_space<vmem>>
      %dma_wait3A_589 = tpu.memref_squeeze %dma_wait3A_588 : memref<1x50xi32, #tpu.memory_space<vmem>> -> memref<50xi32, #tpu.memory_space<vmem>>
      %dma_wait3A_590 = arith.constant 0 : i32
      %dma_wait3A_591 = arith.constant 0 : i32
      %dma_wait3A_592 = tpu.memref_slice %arg2[%dma_wait3A_590, %dma_wait3A_591] : memref<8000x128xf32, #tpu.memory_space<hbm>> -> memref<8000x128xf32, #tpu.memory_space<hbm>>
      tpu.wait_indirect_dma semaphore(%arg14 : memref<!tpu.dma_semaphore, #tpu.memory_space<semaphore_mem>>) src(%dma_wait3A_592 : memref<8000x128xf32, #tpu.memory_space<hbm>>) dst(%dma_wait3A_586 : memref<50x128xf32, #tpu.memory_space<vmem>>)
      %dma_wait3A_593 = arith.constant 6 : i32
      %dma_wait3A_594 = arith.constant 0 : i32
      %dma_wait3A_595 = arith.constant 768 : i32
      %dma_wait3A_596 = tpu.memref_slice %arg9[%dma_wait3A_594, %dma_wait3A_595] : memref<50x1024xf32, #tpu.memory_space<vmem>> -> memref<50x128xf32, #tpu.memory_space<vmem>>
      %dma_wait3A_597 = arith.constant 0 : i32
      %dma_wait3A_598 = tpu.memref_slice %arg7[%dma_wait3A_593, %dma_wait3A_597] : memref<8x50xi32, #tpu.memory_space<vmem>> -> memref<1x50xi32, #tpu.memory_space<vmem>>
      %dma_wait3A_599 = tpu.memref_squeeze %dma_wait3A_598 : memref<1x50xi32, #tpu.memory_space<vmem>> -> memref<50xi32, #tpu.memory_space<vmem>>
      %dma_wait3A_600 = arith.constant 0 : i32
      %dma_wait3A_601 = arith.constant 0 : i32
      %dma_wait3A_602 = tpu.memref_slice %arg2[%dma_wait3A_600, %dma_wait3A_601] : memref<8000x128xf32, #tpu.memory_space<hbm>> -> memref<8000x128xf32, #tpu.memory_space<hbm>>
      tpu.wait_indirect_dma semaphore(%arg14 : memref<!tpu.dma_semaphore, #tpu.memory_space<semaphore_mem>>) src(%dma_wait3A_602 : memref<8000x128xf32, #tpu.memory_space<hbm>>) dst(%dma_wait3A_596 : memref<50x128xf32, #tpu.memory_space<vmem>>)
      %dma_wait3A_603 = arith.constant 7 : i32
      %dma_wait3A_604 = arith.constant 0 : i32
      %dma_wait3A_605 = arith.constant 896 : i32
      %dma_wait3A_606 = tpu.memref_slice %arg9[%dma_wait3A_604, %dma_wait3A_605] : memref<50x1024xf32, #tpu.memory_space<vmem>> -> memref<50x128xf32, #tpu.memory_space<vmem>>
      %dma_wait3A_607 = arith.constant 0 : i32
      %dma_wait3A_608 = tpu.memref_slice %arg7[%dma_wait3A_603, %dma_wait3A_607] : memref<8x50xi32, #tpu.memory_space<vmem>> -> memref<1x50xi32, #tpu.memory_space<vmem>>
      %dma_wait3A_609 = tpu.memref_squeeze %dma_wait3A_608 : memref<1x50xi32, #tpu.memory_space<vmem>> -> memref<50xi32, #tpu.memory_space<vmem>>
      %dma_wait3A_610 = arith.constant 0 : i32
      %dma_wait3A_611 = arith.constant 0 : i32
      %dma_wait3A_612 = tpu.memref_slice %arg2[%dma_wait3A_610, %dma_wait3A_611] : memref<8000x128xf32, #tpu.memory_space<hbm>> -> memref<8000x128xf32, #tpu.memory_space<hbm>>
      tpu.wait_indirect_dma semaphore(%arg14 : memref<!tpu.dma_semaphore, #tpu.memory_space<semaphore_mem>>) src(%dma_wait3A_612 : memref<8000x128xf32, #tpu.memory_space<hbm>>) dst(%dma_wait3A_606 : memref<50x128xf32, #tpu.memory_space<vmem>>)
      %add3A_613 = arith.addi %mul3A_2, %add3A_232 : i32
      %dma_start3A_614 = arith.constant 0 : i32
      %dma_start3A_615 = arith.constant 0 : i32
      %dma_start3A_616 = tpu.memref_slice %arg4[%add3A_613, %dma_start3A_614, %dma_start3A_615] : memref<1024x50x1024xf32, #tpu.memory_space<hbm>> -> memref<1x50x1024xf32, #tpu.memory_space<hbm>>
      %dma_start3A_617 = tpu.memref_squeeze %dma_start3A_616 : memref<1x50x1024xf32, #tpu.memory_space<hbm>> -> memref<50x1024xf32, #tpu.memory_space<hbm>>
      %dma_start3A_618 = arith.constant 0 : i32
      %dma_start3A_619 = arith.constant 0 : i32
      %dma_start3A_620 = tpu.memref_slice %arg4[%add3A_613, %dma_start3A_618, %dma_start3A_619] : memref<1024x50x1024xf32, #tpu.memory_space<hbm>> -> memref<1x50x1024xf32, #tpu.memory_space<hbm>>
      %dma_start3A_621 = tpu.memref_squeeze %dma_start3A_620 : memref<1x50x1024xf32, #tpu.memory_space<hbm>> -> memref<50x1024xf32, #tpu.memory_space<hbm>>
      tpu.enqueue_dma source(%arg9 : memref<50x1024xf32, #tpu.memory_space<vmem>>) target(%dma_start3A_621 : memref<50x1024xf32, #tpu.memory_space<hbm>>) target_semaphore(%arg16 : memref<!tpu.dma_semaphore, #tpu.memory_space<semaphore_mem>>)
      %scan3A_622 = arith.constant 0 : i32
      %scan3A_623 = arith.constant 50 : i32
      %scan3A_624 = arith.addi %scan3A_622, %scan3A_623 : i32
      %scan3A_625 = arith.constant 1 : i32
      %scan3A_626 = scf.for %scan3A_640 = %scan3A_622 to %scan3A_624 step %scan3A_625 iter_args(%scan3A_641 = %scan3A_423) -> (vector<16xf32>)  : i32 {
        %get3A = arith.index_cast %scan3A_640 : i32 to index
        %get3A_642 = arith.constant 1000 : index
        %get3A_643 = tpu.vector_load %arg9[%get3A, %get3A_642] {strides = array<i32>} : memref<50x1024xf32, #tpu.memory_space<vmem>>, vector<1x16xf32>,
        %get3A_644 = vector.shape_cast %get3A_643 : vector<1x16xf32> to vector<16xf32>
        %add3A_645 = arith.addf %scan3A_641, %get3A_644 : vector<16xf32>
        scf.yield %add3A_645 : vector<16xf32>
      }
      %scan3A_627 = arith.constant 50 : i32
      %add3A_628 = arith.constant 2 : i32
      %add3A_629 = arith.addi %add3A_232, %add3A_628 : i32
      %min3A_630 = arith.constant 31 : i32
      %min3A_631 = arith.minsi %add3A_629, %min3A_630 : i32
      %dma_start3A_632 = arith.constant 0 : i32
      %dma_start3A_633 = arith.constant 0 : i32
      %dma_start3A_634 = tpu.memref_slice %arg3[%add3A, %min3A_631, %dma_start3A_632, %dma_start3A_633] : memref<32x32x8x50xi32, #tpu.memory_space<hbm>> -> memref<1x1x8x50xi32, #tpu.memory_space<hbm>>
      %dma_start3A_635 = tpu.memref_squeeze %dma_start3A_634 : memref<1x1x8x50xi32, #tpu.memory_space<hbm>> -> memref<8x50xi32, #tpu.memory_space<hbm>>
      %dma_start3A_636 = arith.constant 0 : i32
      %dma_start3A_637 = arith.constant 0 : i32
      %dma_start3A_638 = tpu.memref_slice %arg3[%add3A, %min3A_631, %dma_start3A_636, %dma_start3A_637] : memref<32x32x8x50xi32, #tpu.memory_space<hbm>> -> memref<1x1x8x50xi32, #tpu.memory_space<hbm>>
      %dma_start3A_639 = tpu.memref_squeeze %dma_start3A_638 : memref<1x1x8x50xi32, #tpu.memory_space<hbm>> -> memref<8x50xi32, #tpu.memory_space<hbm>>
      tpu.enqueue_dma source(%dma_start3A_639 : memref<8x50xi32, #tpu.memory_space<hbm>>) target(%arg7 : memref<8x50xi32, #tpu.memory_space<vmem>>) target_semaphore(%arg12 : memref<!tpu.dma_semaphore, #tpu.memory_space<semaphore_mem>>)
      scf.yield %scan3A_626 : vector<16xf32>
    }
    %scan3A_124 = arith.constant 16 : i32
    %swap3A = arith.constant 0 : index
    %swap3A_125 = tpu.vector_load %arg10[%swap3A] {strides = array<i32>} : memref<16xf32, #tpu.memory_space<vmem>>, vector<16xf32>,
    %swap3A_126 = vector.shape_cast %swap3A_125 : vector<16xf32> to vector<16xf32>
    %swap3A_127 = vector.shape_cast %scan3A_123 : vector<16xf32> to vector<16xf32>
    tpu.vector_store %arg10[%swap3A], %swap3A_127 {strides = array<i32>} : memref<16xf32, #tpu.memory_space<vmem>>, vector<16xf32>,
    "tpu.region"() ({
      %run_scoped3A = tpu.sem_alloc : memref<!tpu.dma_semaphore, #tpu.memory_space<semaphore_mem>>
      %dma_start3A_227 = arith.constant 0 : i32
      %dma_start3A_228 = tpu.memref_slice %arg5[%add3A, %dma_start3A_227] : memref<32x16xf32, #tpu.memory_space<hbm>> -> memref<1x16xf32, #tpu.memory_space<hbm>>
      %dma_start3A_229 = tpu.memref_squeeze %dma_start3A_228 : memref<1x16xf32, #tpu.memory_space<hbm>> -> memref<16xf32, #tpu.memory_space<hbm>>
      %dma_start3A_230 = arith.constant 0 : i32
      %dma_start3A_231 = tpu.memref_slice %arg5[%add3A, %dma_start3A_230] : memref<32x16xf32, #tpu.memory_space<hbm>> -> memref<1x16xf32, #tpu.memory_space<hbm>>
      %dma_start3A_232 = tpu.memref_squeeze %dma_start3A_231 : memref<1x16xf32, #tpu.memory_space<hbm>> -> memref<16xf32, #tpu.memory_space<hbm>>
      tpu.enqueue_dma source(%arg10 : memref<16xf32, #tpu.memory_space<vmem>>) target(%dma_start3A_232 : memref<16xf32, #tpu.memory_space<hbm>>) target_semaphore(%run_scoped3A : memref<!tpu.dma_semaphore, #tpu.memory_space<semaphore_mem>>)
      %dma_wait3A_233 = arith.constant 0 : i32
      %dma_wait3A_234 = tpu.memref_slice %arg5[%add3A, %dma_wait3A_233] : memref<32x16xf32, #tpu.memory_space<hbm>> -> memref<1x16xf32, #tpu.memory_space<hbm>>
      %dma_wait3A_235 = tpu.memref_squeeze %dma_wait3A_234 : memref<1x16xf32, #tpu.memory_space<hbm>> -> memref<16xf32, #tpu.memory_space<hbm>>
      %dma_wait3A_236 = arith.constant 0 : i32
      %dma_wait3A_237 = tpu.memref_slice %arg5[%add3A, %dma_wait3A_236] : memref<32x16xf32, #tpu.memory_space<hbm>> -> memref<1x16xf32, #tpu.memory_space<hbm>>
      %dma_wait3A_238 = tpu.memref_squeeze %dma_wait3A_237 : memref<1x16xf32, #tpu.memory_space<hbm>> -> memref<16xf32, #tpu.memory_space<hbm>>
      tpu.wait_dma2 semaphore(%run_scoped3A : memref<!tpu.dma_semaphore, #tpu.memory_space<semaphore_mem>>) src(%arg10 : memref<16xf32, #tpu.memory_space<vmem>>) dst(%dma_wait3A_238 : memref<16xf32, #tpu.memory_space<hbm>>)
      tpu.yield
    }) : () -> ()
    %dma_wait3A_128 = arith.constant 0 : i32
    %dma_wait3A_129 = arith.constant 0 : i32
    %dma_wait3A_130 = arith.constant 0 : i32
    %dma_wait3A_131 = tpu.memref_slice %arg8[%dma_wait3A_129, %dma_wait3A_130] : memref<50x1024xf32, #tpu.memory_space<vmem>> -> memref<50x128xf32, #tpu.memory_space<vmem>>
    %dma_wait3A_132 = arith.constant 0 : i32
    %dma_wait3A_133 = tpu.memref_slice %arg6[%dma_wait3A_128, %dma_wait3A_132] : memref<8x50xi32, #tpu.memory_space<vmem>> -> memref<1x50xi32, #tpu.memory_space<vmem>>
    %dma_wait3A_134 = tpu.memref_squeeze %dma_wait3A_133 : memref<1x50xi32, #tpu.memory_space<vmem>> -> memref<50xi32, #tpu.memory_space<vmem>>
    %dma_wait3A_135 = arith.constant 0 : i32
    %dma_wait3A_136 = arith.constant 0 : i32
    %dma_wait3A_137 = tpu.memref_slice %arg2[%dma_wait3A_135, %dma_wait3A_136] : memref<8000x128xf32, #tpu.memory_space<hbm>> -> memref<8000x128xf32, #tpu.memory_space<hbm>>
    tpu.wait_indirect_dma semaphore(%arg13 : memref<!tpu.dma_semaphore, #tpu.memory_space<semaphore_mem>>) src(%dma_wait3A_137 : memref<8000x128xf32, #tpu.memory_space<hbm>>) dst(%dma_wait3A_131 : memref<50x128xf32, #tpu.memory_space<vmem>>)
    %dma_wait3A_138 = arith.constant 1 : i32
    %dma_wait3A_139 = arith.constant 0 : i32
    %dma_wait3A_140 = arith.constant 128 : i32
    %dma_wait3A_141 = tpu.memref_slice %arg8[%dma_wait3A_139, %dma_wait3A_140] : memref<50x1024xf32, #tpu.memory_space<vmem>> -> memref<50x128xf32, #tpu.memory_space<vmem>>
    %dma_wait3A_142 = arith.constant 0 : i32
    %dma_wait3A_143 = tpu.memref_slice %arg6[%dma_wait3A_138, %dma_wait3A_142] : memref<8x50xi32, #tpu.memory_space<vmem>> -> memref<1x50xi32, #tpu.memory_space<vmem>>
    %dma_wait3A_144 = tpu.memref_squeeze %dma_wait3A_143 : memref<1x50xi32, #tpu.memory_space<vmem>> -> memref<50xi32, #tpu.memory_space<vmem>>
    %dma_wait3A_145 = arith.constant 0 : i32
    %dma_wait3A_146 = arith.constant 0 : i32
    %dma_wait3A_147 = tpu.memref_slice %arg2[%dma_wait3A_145, %dma_wait3A_146] : memref<8000x128xf32, #tpu.memory_space<hbm>> -> memref<8000x128xf32, #tpu.memory_space<hbm>>
    tpu.wait_indirect_dma semaphore(%arg13 : memref<!tpu.dma_semaphore, #tpu.memory_space<semaphore_mem>>) src(%dma_wait3A_147 : memref<8000x128xf32, #tpu.memory_space<hbm>>) dst(%dma_wait3A_141 : memref<50x128xf32, #tpu.memory_space<vmem>>)
    %dma_wait3A_148 = arith.constant 2 : i32
    %dma_wait3A_149 = arith.constant 0 : i32
    %dma_wait3A_150 = arith.constant 256 : i32
    %dma_wait3A_151 = tpu.memref_slice %arg8[%dma_wait3A_149, %dma_wait3A_150] : memref<50x1024xf32, #tpu.memory_space<vmem>> -> memref<50x128xf32, #tpu.memory_space<vmem>>
    %dma_wait3A_152 = arith.constant 0 : i32
    %dma_wait3A_153 = tpu.memref_slice %arg6[%dma_wait3A_148, %dma_wait3A_152] : memref<8x50xi32, #tpu.memory_space<vmem>> -> memref<1x50xi32, #tpu.memory_space<vmem>>
    %dma_wait3A_154 = tpu.memref_squeeze %dma_wait3A_153 : memref<1x50xi32, #tpu.memory_space<vmem>> -> memref<50xi32, #tpu.memory_space<vmem>>
    %dma_wait3A_155 = arith.constant 0 : i32
    %dma_wait3A_156 = arith.constant 0 : i32
    %dma_wait3A_157 = tpu.memref_slice %arg2[%dma_wait3A_155, %dma_wait3A_156] : memref<8000x128xf32, #tpu.memory_space<hbm>> -> memref<8000x128xf32, #tpu.memory_space<hbm>>
    tpu.wait_indirect_dma semaphore(%arg13 : memref<!tpu.dma_semaphore, #tpu.memory_space<semaphore_mem>>) src(%dma_wait3A_157 : memref<8000x128xf32, #tpu.memory_space<hbm>>) dst(%dma_wait3A_151 : memref<50x128xf32, #tpu.memory_space<vmem>>)
    %dma_wait3A_158 = arith.constant 3 : i32
    %dma_wait3A_159 = arith.constant 0 : i32
    %dma_wait3A_160 = arith.constant 384 : i32
    %dma_wait3A_161 = tpu.memref_slice %arg8[%dma_wait3A_159, %dma_wait3A_160] : memref<50x1024xf32, #tpu.memory_space<vmem>> -> memref<50x128xf32, #tpu.memory_space<vmem>>
    %dma_wait3A_162 = arith.constant 0 : i32
    %dma_wait3A_163 = tpu.memref_slice %arg6[%dma_wait3A_158, %dma_wait3A_162] : memref<8x50xi32, #tpu.memory_space<vmem>> -> memref<1x50xi32, #tpu.memory_space<vmem>>
    %dma_wait3A_164 = tpu.memref_squeeze %dma_wait3A_163 : memref<1x50xi32, #tpu.memory_space<vmem>> -> memref<50xi32, #tpu.memory_space<vmem>>
    %dma_wait3A_165 = arith.constant 0 : i32
    %dma_wait3A_166 = arith.constant 0 : i32
    %dma_wait3A_167 = tpu.memref_slice %arg2[%dma_wait3A_165, %dma_wait3A_166] : memref<8000x128xf32, #tpu.memory_space<hbm>> -> memref<8000x128xf32, #tpu.memory_space<hbm>>
    tpu.wait_indirect_dma semaphore(%arg13 : memref<!tpu.dma_semaphore, #tpu.memory_space<semaphore_mem>>) src(%dma_wait3A_167 : memref<8000x128xf32, #tpu.memory_space<hbm>>) dst(%dma_wait3A_161 : memref<50x128xf32, #tpu.memory_space<vmem>>)
    %dma_wait3A_168 = arith.constant 4 : i32
    %dma_wait3A_169 = arith.constant 0 : i32
    %dma_wait3A_170 = arith.constant 512 : i32
    %dma_wait3A_171 = tpu.memref_slice %arg8[%dma_wait3A_169, %dma_wait3A_170] : memref<50x1024xf32, #tpu.memory_space<vmem>> -> memref<50x128xf32, #tpu.memory_space<vmem>>
    %dma_wait3A_172 = arith.constant 0 : i32
    %dma_wait3A_173 = tpu.memref_slice %arg6[%dma_wait3A_168, %dma_wait3A_172] : memref<8x50xi32, #tpu.memory_space<vmem>> -> memref<1x50xi32, #tpu.memory_space<vmem>>
    %dma_wait3A_174 = tpu.memref_squeeze %dma_wait3A_173 : memref<1x50xi32, #tpu.memory_space<vmem>> -> memref<50xi32, #tpu.memory_space<vmem>>
    %dma_wait3A_175 = arith.constant 0 : i32
    %dma_wait3A_176 = arith.constant 0 : i32
    %dma_wait3A_177 = tpu.memref_slice %arg2[%dma_wait3A_175, %dma_wait3A_176] : memref<8000x128xf32, #tpu.memory_space<hbm>> -> memref<8000x128xf32, #tpu.memory_space<hbm>>
    tpu.wait_indirect_dma semaphore(%arg13 : memref<!tpu.dma_semaphore, #tpu.memory_space<semaphore_mem>>) src(%dma_wait3A_177 : memref<8000x128xf32, #tpu.memory_space<hbm>>) dst(%dma_wait3A_171 : memref<50x128xf32, #tpu.memory_space<vmem>>)
    %dma_wait3A_178 = arith.constant 5 : i32
    %dma_wait3A_179 = arith.constant 0 : i32
    %dma_wait3A_180 = arith.constant 640 : i32
    %dma_wait3A_181 = tpu.memref_slice %arg8[%dma_wait3A_179, %dma_wait3A_180] : memref<50x1024xf32, #tpu.memory_space<vmem>> -> memref<50x128xf32, #tpu.memory_space<vmem>>
    %dma_wait3A_182 = arith.constant 0 : i32
    %dma_wait3A_183 = tpu.memref_slice %arg6[%dma_wait3A_178, %dma_wait3A_182] : memref<8x50xi32, #tpu.memory_space<vmem>> -> memref<1x50xi32, #tpu.memory_space<vmem>>
    %dma_wait3A_184 = tpu.memref_squeeze %dma_wait3A_183 : memref<1x50xi32, #tpu.memory_space<vmem>> -> memref<50xi32, #tpu.memory_space<vmem>>
    %dma_wait3A_185 = arith.constant 0 : i32
    %dma_wait3A_186 = arith.constant 0 : i32
    %dma_wait3A_187 = tpu.memref_slice %arg2[%dma_wait3A_185, %dma_wait3A_186] : memref<8000x128xf32, #tpu.memory_space<hbm>> -> memref<8000x128xf32, #tpu.memory_space<hbm>>
    tpu.wait_indirect_dma semaphore(%arg13 : memref<!tpu.dma_semaphore, #tpu.memory_space<semaphore_mem>>) src(%dma_wait3A_187 : memref<8000x128xf32, #tpu.memory_space<hbm>>) dst(%dma_wait3A_181 : memref<50x128xf32, #tpu.memory_space<vmem>>)
    %dma_wait3A_188 = arith.constant 6 : i32
    %dma_wait3A_189 = arith.constant 0 : i32
    %dma_wait3A_190 = arith.constant 768 : i32
    %dma_wait3A_191 = tpu.memref_slice %arg8[%dma_wait3A_189, %dma_wait3A_190] : memref<50x1024xf32, #tpu.memory_space<vmem>> -> memref<50x128xf32, #tpu.memory_space<vmem>>
    %dma_wait3A_192 = arith.constant 0 : i32
    %dma_wait3A_193 = tpu.memref_slice %arg6[%dma_wait3A_188, %dma_wait3A_192] : memref<8x50xi32, #tpu.memory_space<vmem>> -> memref<1x50xi32, #tpu.memory_space<vmem>>
    %dma_wait3A_194 = tpu.memref_squeeze %dma_wait3A_193 : memref<1x50xi32, #tpu.memory_space<vmem>> -> memref<50xi32, #tpu.memory_space<vmem>>
    %dma_wait3A_195 = arith.constant 0 : i32
    %dma_wait3A_196 = arith.constant 0 : i32
    %dma_wait3A_197 = tpu.memref_slice %arg2[%dma_wait3A_195, %dma_wait3A_196] : memref<8000x128xf32, #tpu.memory_space<hbm>> -> memref<8000x128xf32, #tpu.memory_space<hbm>>
    tpu.wait_indirect_dma semaphore(%arg13 : memref<!tpu.dma_semaphore, #tpu.memory_space<semaphore_mem>>) src(%dma_wait3A_197 : memref<8000x128xf32, #tpu.memory_space<hbm>>) dst(%dma_wait3A_191 : memref<50x128xf32, #tpu.memory_space<vmem>>)
    %dma_wait3A_198 = arith.constant 7 : i32
    %dma_wait3A_199 = arith.constant 0 : i32
    %dma_wait3A_200 = arith.constant 896 : i32
    %dma_wait3A_201 = tpu.memref_slice %arg8[%dma_wait3A_199, %dma_wait3A_200] : memref<50x1024xf32, #tpu.memory_space<vmem>> -> memref<50x128xf32, #tpu.memory_space<vmem>>
    %dma_wait3A_202 = arith.constant 0 : i32
    %dma_wait3A_203 = tpu.memref_slice %arg6[%dma_wait3A_198, %dma_wait3A_202] : memref<8x50xi32, #tpu.memory_space<vmem>> -> memref<1x50xi32, #tpu.memory_space<vmem>>
    %dma_wait3A_204 = tpu.memref_squeeze %dma_wait3A_203 : memref<1x50xi32, #tpu.memory_space<vmem>> -> memref<50xi32, #tpu.memory_space<vmem>>
    %dma_wait3A_205 = arith.constant 0 : i32
    %dma_wait3A_206 = arith.constant 0 : i32
    %dma_wait3A_207 = tpu.memref_slice %arg2[%dma_wait3A_205, %dma_wait3A_206] : memref<8000x128xf32, #tpu.memory_space<hbm>> -> memref<8000x128xf32, #tpu.memory_space<hbm>>
    tpu.wait_indirect_dma semaphore(%arg13 : memref<!tpu.dma_semaphore, #tpu.memory_space<semaphore_mem>>) src(%dma_wait3A_207 : memref<8000x128xf32, #tpu.memory_space<hbm>>) dst(%dma_wait3A_201 : memref<50x128xf32, #tpu.memory_space<vmem>>)
    %dma_wait3A_208 = arith.constant 1 : i32
    %dma_wait3A_209 = arith.constant 0 : i32
    %dma_wait3A_210 = arith.constant 0 : i32
    %dma_wait3A_211 = tpu.memref_slice %arg3[%add3A, %dma_wait3A_208, %dma_wait3A_209, %dma_wait3A_210] : memref<32x32x8x50xi32, #tpu.memory_space<hbm>> -> memref<1x1x8x50xi32, #tpu.memory_space<hbm>>
    %dma_wait3A_212 = tpu.memref_squeeze %dma_wait3A_211 : memref<1x1x8x50xi32, #tpu.memory_space<hbm>> -> memref<8x50xi32, #tpu.memory_space<hbm>>
    %dma_wait3A_213 = arith.constant 0 : i32
    %dma_wait3A_214 = arith.constant 0 : i32
    %dma_wait3A_215 = tpu.memref_slice %arg3[%add3A, %dma_wait3A_208, %dma_wait3A_213, %dma_wait3A_214] : memref<32x32x8x50xi32, #tpu.memory_space<hbm>> -> memref<1x1x8x50xi32, #tpu.memory_space<hbm>>
    %dma_wait3A_216 = tpu.memref_squeeze %dma_wait3A_215 : memref<1x1x8x50xi32, #tpu.memory_space<hbm>> -> memref<8x50xi32, #tpu.memory_space<hbm>>
    tpu.wait_dma2 semaphore(%arg12 : memref<!tpu.dma_semaphore, #tpu.memory_space<semaphore_mem>>) src(%dma_wait3A_216 : memref<8x50xi32, #tpu.memory_space<hbm>>) dst(%arg7 : memref<8x50xi32, #tpu.memory_space<vmem>>)
    %add3A_217 = arith.constant 1 : i32
    %add3A_218 = arith.addi %mul3A_2, %add3A_217 : i32
    %dma_wait3A_219 = arith.constant 0 : i32
    %dma_wait3A_220 = arith.constant 0 : i32
    %dma_wait3A_221 = tpu.memref_slice %arg4[%add3A_218, %dma_wait3A_219, %dma_wait3A_220] : memref<1024x50x1024xf32, #tpu.memory_space<hbm>> -> memref<1x50x1024xf32, #tpu.memory_space<hbm>>
    %dma_wait3A_222 = tpu.memref_squeeze %dma_wait3A_221 : memref<1x50x1024xf32, #tpu.memory_space<hbm>> -> memref<50x1024xf32, #tpu.memory_space<hbm>>
    %dma_wait3A_223 = arith.constant 0 : i32
    %dma_wait3A_224 = arith.constant 0 : i32
    %dma_wait3A_225 = tpu.memref_slice %arg4[%add3A_218, %dma_wait3A_223, %dma_wait3A_224] : memref<1024x50x1024xf32, #tpu.memory_space<hbm>> -> memref<1x50x1024xf32, #tpu.memory_space<hbm>>
    %dma_wait3A_226 = tpu.memref_squeeze %dma_wait3A_225 : memref<1x50x1024xf32, #tpu.memory_space<hbm>> -> memref<50x1024xf32, #tpu.memory_space<hbm>>
    tpu.wait_dma2 semaphore(%arg16 : memref<!tpu.dma_semaphore, #tpu.memory_space<semaphore_mem>>) src(%arg9 : memref<50x1024xf32, #tpu.memory_space<vmem>>) dst(%dma_wait3A_226 : memref<50x1024xf32, #tpu.memory_space<hbm>>)
    return
  }
}

module attributes {stable_mosaic.version = 14 : i64} {
  func.func @_tc_body(%arg0: memref<1000x128xf32, #tpu.memory_space<vmem>>, %arg1: memref<1024x128xf32, #tpu.memory_space<vmem>>, %arg2: memref<1x1024xf32, #tpu.memory_space<vmem>>, %arg3: memref<1000x1024xf32, #tpu.memory_space<vmem>>) attributes {dimension_semantics = [], scalar_prefetch = 0 : i64, scratch_operands = 0 : i64, tpu.core_type = #tpu.core_type<tc>} {
    %get3A = arith.constant 0 : index
    %get3A_0 = arith.constant 0 : index
    %get3A_1 = vector.load %arg0[%get3A, %get3A_0] : memref<1000x128xf32, #tpu.memory_space<vmem>>, vector<1000x128xf32>
    %get3A_2 = arith.constant 0 : index
    %get3A_3 = arith.constant 0 : index
    %get3A_4 = vector.load %arg1[%get3A_2, %get3A_3] : memref<1024x128xf32, #tpu.memory_space<vmem>>, vector<1024x128xf32>
    %dot_general3A = arith.constant dense<0.000000e+00> : vector<1000x1024xf32>
    %dot_general3A_5 = tpu.matmul %get3A_1, %get3A_4, %dot_general3A {dimension_numbers = #tpu.dot_dimension_numbers<[1], [1], [0], [0], [0, 0, 1, 0], [], []>, transpose_lhs_hint = false} : vector<1000x128xf32>, vector<1024x128xf32>, vector<1000x1024xf32> -> vector<1000x1024xf32>
    %get3A_6 = arith.constant 0 : index
    %get3A_7 = arith.constant 0 : index
    %get3A_8 = vector.load %arg2[%get3A_6, %get3A_7] : memref<1x1024xf32, #tpu.memory_space<vmem>>, vector<1x1024xf32>
    %add3A = vector.broadcast %get3A_8 : vector<1x1024xf32> to vector<1000x1024xf32>
    %add3A_9 = arith.addf %dot_general3A_5, %add3A : vector<1000x1024xf32>
    %iota3A = tpu.iota {dimensions = array<i32: 1>} : vector<1000x1024xi32>
    %iota3A_10 = tpu.iota {dimensions = array<i32: 0>} : vector<1000x1024xi32>
    %lt3A = arith.constant 1000 : i32
    %lt3A_11 = vector.broadcast %lt3A : i32 to vector<1000x1024xi32>
    %lt3A_12 = arith.cmpi slt, %iota3A, %lt3A_11 : vector<1000x1024xi32>
    %jit3A = arith.constant 0xFF800000 : f32
    %broadcast_in_dim3A = vector.broadcast %jit3A : f32 to vector<1000x1024xf32>
    %select_n3A = arith.select %lt3A_12, %add3A_9, %broadcast_in_dim3A : vector<1000x1024xi1>, vector<1000x1024xf32>
    %reduce_max3A = arith.constant dense<0xFF800000> : vector<1000xf32>
    %reduce_max3A_13 = vector.multi_reduction <maximumf>, %select_n3A, %reduce_max3A [1] : vector<1000x1024xf32> to vector<1000xf32>
    %broadcast_in_dim3A_14 = vector.shape_cast %reduce_max3A_13 : vector<1000xf32> to vector<1000x1xf32>
    %squeeze3A = vector.shape_cast %broadcast_in_dim3A_14 : vector<1000x1xf32> to vector<1000xf32>
    %sub3A = vector.broadcast %broadcast_in_dim3A_14 : vector<1000x1xf32> to vector<1000x1024xf32>
    %sub3A_15 = arith.subf %select_n3A, %sub3A : vector<1000x1024xf32>
    %exp3A = math.exp %sub3A_15 : vector<1000x1024xf32>
    %reduce_sum3A = arith.constant dense<0.000000e+00> : vector<1000xf32>
    %reduce_sum3A_16 = vector.multi_reduction <add>, %exp3A, %reduce_sum3A [1] : vector<1000x1024xf32> to vector<1000xf32>
    %log3A = math.log %reduce_sum3A_16 : vector<1000xf32>
    %add3A_17 = arith.addf %squeeze3A, %log3A : vector<1000xf32>
    %eq3A = arith.cmpi eq, %iota3A_10, %iota3A : vector<1000x1024xi32>
    %jit3A_18 = arith.constant 0.000000e+00 : f32
    %broadcast_in_dim3A_19 = vector.broadcast %jit3A_18 : f32 to vector<1000x1024xf32>
    %select_n3A_20 = arith.select %eq3A, %add3A_9, %broadcast_in_dim3A_19 : vector<1000x1024xi1>, vector<1000x1024xf32>
    %reduce_sum3A_21 = arith.constant dense<0.000000e+00> : vector<1000xf32>
    %reduce_sum3A_22 = vector.multi_reduction <add>, %select_n3A_20, %reduce_sum3A_21 [1] : vector<1000x1024xf32> to vector<1000xf32>
    %sub3A_23 = arith.subf %add3A_17, %reduce_sum3A_22 : vector<1000xf32>
    %slice3A = vector.extract_strided_slice %iota3A_10 {offsets = [0, 0], sizes = [1000, 1], strides = [1, 1]} : vector<1000x1024xi32> to vector<1000x1xi32>
    %squeeze3A_24 = vector.shape_cast %slice3A : vector<1000x1xi32> to vector<1000xi32>
    %ne3A = arith.constant 0 : i32
    %ne3A_25 = vector.broadcast %ne3A : i32 to vector<1000xi32>
    %ne3A_26 = arith.cmpi ne, %squeeze3A_24, %ne3A_25 : vector<1000xi32>
    %jit3A_27 = arith.constant 0.000000e+00 : f32
    %broadcast_in_dim3A_28 = vector.broadcast %jit3A_27 : f32 to vector<1000xf32>
    %select_n3A_29 = arith.select %ne3A_26, %sub3A_23, %broadcast_in_dim3A_28 : vector<1000xi1>, vector<1000xf32>
    %broadcast_in_dim3A_30 = vector.shape_cast %select_n3A_29 : vector<1000xf32> to vector<1000x1xf32>
    %jit3A_31 = arith.constant 1.000000e+00 : f32
    %jit3A_32 = arith.constant 0.000000e+00 : f32
    %broadcast_in_dim3A_33 = vector.broadcast %jit3A_31 : f32 to vector<1000xf32>
    %broadcast_in_dim3A_34 = vector.broadcast %jit3A_32 : f32 to vector<1000xf32>
    %select_n3A_35 = arith.select %ne3A_26, %broadcast_in_dim3A_33, %broadcast_in_dim3A_34 : vector<1000xi1>, vector<1000xf32>
    %broadcast_in_dim3A_36 = vector.shape_cast %select_n3A_35 : vector<1000xf32> to vector<1000x1xf32>
    %eq3A_37 = arith.constant 1000 : i32
    %eq3A_38 = vector.broadcast %eq3A_37 : i32 to vector<1000x1024xi32>
    %eq3A_39 = arith.cmpi eq, %iota3A, %eq3A_38 : vector<1000x1024xi32>
    %broadcast_in_dim3A_40 = vector.shape_cast %broadcast_in_dim3A_30 : vector<1000x1xf32> to vector<1000x1xf32>
    %broadcast_in_dim3A_41 = vector.broadcast %broadcast_in_dim3A_40 : vector<1000x1xf32> to vector<1000x1024xf32>
    %select_n3A_42 = arith.select %eq3A_39, %broadcast_in_dim3A_41, %add3A_9 : vector<1000x1024xi1>, vector<1000x1024xf32>
    %eq3A_43 = arith.constant 1001 : i32
    %eq3A_44 = vector.broadcast %eq3A_43 : i32 to vector<1000x1024xi32>
    %eq3A_45 = arith.cmpi eq, %iota3A, %eq3A_44 : vector<1000x1024xi32>
    %broadcast_in_dim3A_46 = vector.shape_cast %broadcast_in_dim3A_36 : vector<1000x1xf32> to vector<1000x1xf32>
    %broadcast_in_dim3A_47 = vector.broadcast %broadcast_in_dim3A_46 : vector<1000x1xf32> to vector<1000x1024xf32>
    %select_n3A_48 = arith.select %eq3A_45, %broadcast_in_dim3A_47, %select_n3A_42 : vector<1000x1024xi1>, vector<1000x1024xf32>
    %swap3A = arith.constant 0 : index
    %swap3A_49 = arith.constant 0 : index
    %swap3A_50 = vector.load %arg3[%swap3A, %swap3A_49] : memref<1000x1024xf32, #tpu.memory_space<vmem>>, vector<1000x1024xf32>
    tpu.vector_store %arg3[%swap3A, %swap3A_49], %select_n3A_48 {strides = array<i32>} : memref<1000x1024xf32, #tpu.memory_space<vmem>>, vector<1000x1024xf32>,
    return
  }
}

</mosaic_0001>

<sc_bundles>
// kernel: kernel.4.cloned.1.call-start
scs
__scs_entry_jumppad:
0x0: {  	(pc) =	sbr.rel $0x88, $3  }
0x1: {  	(tag) =	ssettag $0x0;
	lr =	simm.s32 $0x1  }
0x2: {  	[smem:$0x3F9D] =	sst lr;
	_ =	strace $0xD0000000  }
0x3: {  	_ = 	snop  }
0x4: {  	_ = 	snop  }
0x5: {  	_ = 	snop  }
0x6: {  	_ = 	snop  }
0x7: {  	_ = 	snop  }
__scs_overlays_trampoline_lowered:
0x8: {  	[smem:$0x3FAC] =	sst s0  }
0x9: {  	[smem:$0x3FAD] =	sst s1  }
0xa: {  	[smem:$0x3FAE] =	sst s2  }
0xb: {  	[smem:$0x3FAF] =	sst s3  }
0xc: {  	[smem:$0x3FB0] =	sst s4  }
0xd: {  	[smem:$0x3FB1] =	sst s5  }
0xe: {  	[smem:$0x3FB2] =	sst s6  }
0xf: {  	[smem:$0x3FB3] =	sst s7  }
0x10: {  	[smem:$0x3FB4] =	sst s8  }
0x11: {  	[smem:$0x3FB5] =	sst s9;
	s0 =	simm.s32 @!p0 $0x0  }
0x12: {  	s1 =	sld [smem:$0x3F9B];
	s0 =	simm.s32 @p0 $0x1  }
0x13: {  	[smem:$0x3FB6] =	sst s0;
	s0 =	simm.s32 @!p1 $0x0  }
0x14: {  	s2 =	sld [smem:$0x3F9A];
	s0 =	simm.s32 @p1 $0x1  }
0x15: {  	[smem:$0x3FB7] =	sst s0;
	s0 =	simm.s32 @!p2 $0x0  }
0x16: {  	s3 =	sld [smem:$0x3FDB];
	s0 =	simm.s32 @p2 $0x1  }
0x17: {  	s4 =	simm.s32 $0x1BF5;
	[smem:$0x3FB9] =	sst s0  }
0x18: {  	s0 =	sld [smem:$0x3F9C];
	_ =	swait.ge [sflag:s4], $0x0  }
0x19: {  	s7 =	sld [smem:$0x3F9D]  }
0x1a: {  	s8 =	sadd.s32 $0xFFFFE003, lr  }
0x1b: {  	s9 =	sadd.s32 $0xFFFFFEF7, lr;
	s5 =	simm.s32 $0xFFFFFFFF;
	p2 =	slt.u32 s8, $0xFFFFF086  }
0x1c: {  	p1 =	slt.u32 s9, $0xF7A;
	s5 =	simm.s32 @!p2 $0x0  }
0x1d: {  	s5 =	simm.s32 @p1 $0x1;
	p0 =	seq.s32 s7, s2  }
0x1e: {  	s7 =	smul.u32 @!p0 $0xF7A, s2;
	p2 =	seq.s32 @!p0 s5, $0x0  }
0x1f: {  	s9 =	smul.u32 $0xF7A, s1;
	s8 =	simm.s32 @!p0 $0x1BF5;
	p2 =	por !p2, p0  }
0x20: {  	[sflag:s8] =	ssyncset.s32 @!p0 $0xFFFFF086;
	s6 =	sadd.s32 @!p0 s3, s7;
	s7 =	simm.s32 @!p0 $0x108  }
0x21: {  	s3 =	sadd.s32 s3, s9;
	s6 =	sadd.s32 @!p0 $0x88, s6;
	s7 =	simm.s32 @p2 $0x1082  }
0x22: {  	[simem:s7], [sflag:s8] =	dma.local @!p0 [hbm:s6], $0xF7A  }
0x23: {  	s9 =	sor.u32 $0xD0000000, s2;
	s6 =	simm.s32 $0x108;
	_ =	swait.ge @!p0 [sflag:s8], $0x0  }
0x24: {  	s3 =	sadd.s32 $0x88, s3;
	s6 =	simm.s32 @!p1 $0x1082;
	[sflag:s4] =	ssyncset.s32 $0xFFFFF086  }
0x25: {  	[simem:s6], [sflag:s4] =	dma.local [hbm:s3], $0xF7A  }
0x26: {  	[smem:$0x3F9D] =	sst s1;
	(tag) =	ssettag s2;
	_ =	strace s9  }
0x27: {  	s1 =	sld [smem:$0x3FAD]  }
0x28: {  	s2 =	sld [smem:$0x3FAE]  }
0x29: {  	s4 =	sld [smem:$0x3FB0]  }
0x2a: {  	p0 =	seq.s32 s5, $0x0;
	s5 =	sld [smem:$0x3FB1]  }
0x2b: {  	s6 =	sld [smem:$0x3FB2]  }
0x2c: {  	s7 =	sld [smem:$0x3FB3]  }
0x2d: {  	s3 =	simm.s32 $0x108;
	s8 =	sld [smem:$0x3FB4]  }
0x2e: {  	s3 =	simm.s32 @!p0 $0x1082;
	s9 =	sld [smem:$0x3FB5]  }
0x2f: {  	lr =	sadd.s32 s0, s3;
	s0 =	sld [smem:$0x3FAC]  }
0x30: {  	s3 =	sld [smem:$0x3FAF]  }
0x31: {  	[smem:$0x3FB8] =	sst s10  }
0x32: {  	s10 =	sld [smem:$0x3FB6];
	_ =	sdelay $0x3  }
0x33: {  	p0 =	seq.s32 s10, $0x1;
	s10 =	sld [smem:$0x3FB8];
	_ =	sdelay $0x3  }
0x34: {  	[smem:$0x3FB8] =	sst s10  }
0x35: {  	s10 =	sld [smem:$0x3FB7];
	_ =	sdelay $0x3  }
0x36: {  	p1 =	seq.s32 s10, $0x1;
	s10 =	sld [smem:$0x3FB8];
	_ =	sdelay $0x3  }
0x37: {  	[smem:$0x3FB8] =	sst s10  }
0x38: {  	s10 =	sld [smem:$0x3FB9]  }
0x39: {  	_ = 	snop;
	(pc) =	sbr.ind lr, $3  }
0x3a: {  	_ = 	snop  }
0x3b: {  	_ = 	snop  }
0x3c: {  	p2 =	seq.s32 s10, $0x1;
	s10 =	sld [smem:$0x3FB8]  }
0x3d: {  	_ =	shalt  }
0x3e: {  	_ =	shalt  }
0x3f: {  	_ =	shalt  }
0x40: {  	_ =	shalt  }
0x41: {  	_ =	shalt  }
0x42: {  	_ =	shalt  }
0x43: {  	_ =	shalt  }
0x44: {  	_ =	shalt  }
0x45: {  	_ =	shalt  }
0x46: {  	_ =	shalt  }
0x47: {  	_ =	shalt  }
0x48: {  	_ =	shalt  }
0x49: {  	_ =	shalt  }
0x4a: {  	_ =	shalt  }
0x4b: {  	_ =	shalt  }
0x4c: {  	_ =	shalt  }
0x4d: {  	_ =	shalt  }
0x4e: {  	_ =	shalt  }
0x4f: {  	_ =	shalt  }
0x50: {  	_ =	shalt  }
0x51: {  	_ =	shalt  }
0x52: {  	_ =	shalt  }
0x53: {  	_ =	shalt  }
0x54: {  	_ =	shalt  }
0x55: {  	_ =	shalt  }
0x56: {  	_ =	shalt  }
0x57: {  	_ =	shalt  }
0x58: {  	_ =	shalt  }
0x59: {  	_ =	shalt  }
0x5a: {  	_ =	shalt  }
0x5b: {  	_ =	shalt  }
0x5c: {  	_ =	shalt  }
0x5d: {  	_ =	shalt  }
0x5e: {  	_ =	shalt  }
0x5f: {  	_ =	shalt  }
0x60: {  	_ =	shalt  }
0x61: {  	_ =	shalt  }
0x62: {  	_ =	shalt  }
0x63: {  	_ =	shalt  }
0x64: {  	_ =	shalt  }
0x65: {  	_ =	shalt  }
0x66: {  	_ =	shalt  }
0x67: {  	_ =	shalt  }
0x68: {  	_ =	shalt  }
0x69: {  	_ =	shalt  }
0x6a: {  	_ =	shalt  }
0x6b: {  	_ =	shalt  }
0x6c: {  	_ =	shalt  }
0x6d: {  	_ =	shalt  }
0x6e: {  	_ =	shalt  }
0x6f: {  	_ =	shalt  }
0x70: {  	_ =	shalt  }
0x71: {  	_ =	shalt  }
0x72: {  	_ =	shalt  }
0x73: {  	_ =	shalt  }
0x74: {  	_ =	shalt  }
0x75: {  	_ =	shalt  }
0x76: {  	_ =	shalt  }
0x77: {  	_ =	shalt  }
0x78: {  	_ =	shalt  }
0x79: {  	_ =	shalt  }
0x7a: {  	_ =	shalt  }
0x7b: {  	_ =	shalt  }
0x7c: {  	_ =	shalt  }
0x7d: {  	_ =	shalt  }
0x7e: {  	_ =	shalt  }
0x7f: {  	_ =	shalt  }
0x80: {  	_ =	shalt  }
0x81: {  	_ =	shalt  }
0x82: {  	_ =	shalt  }
0x83: {  	_ =	shalt  }
0x84: {  	_ =	shalt  }
0x85: {  	_ =	shalt  }
0x86: {  	_ =	shalt  }
0x87: {  	_ =	shalt  }
.Lfunc_end0:
.L_simem_size_0:
called_computation.1_lowered:
.L_overlay_start_0:
0x88: {  	s2 =	sld [smem:$0x3FD9]  }
0x89: {  	s3 =	sld [smem:$0x3FFE];
	_ =	sdelay $0x1  }
0x8a: {  	s1 =	srdreg.scid  }
0x8b: {  	s0 =	sand.u32 $0x1, s1  }
0x8c: {  	s14 =	sshll.u32 s0, $0xA;
	s2 =	sadd.s32 s3, s2  }
0x8d: {  	s2 =	sadd.s32 s2, s14  }
0x8e: {  	[smem:$0x3FC4] =	sst s2  }
0x8f: {  	_ = 	snop  }
0x90: {  	s2 =	sld [smem:$0x3FD0];
	_ =	sdelay $0x2  }
0x91: {  	s15 =	simm.s32 $0xA;
	s4 =	simm.s32 $0x10  }
0x92: {  	[smem:s4], [sflag:s15] =	dma.local [hbm:s2], $0x1  }
0x93: {  	_ =	swait.eq [sflag:s15], $0x1  }
0x94: {  	[sflag:s15] =	ssyncset.done $0x0  }
0x95: {  	[sflag:s15] =	ssyncadd.s32 $0xFFFFFFFF  }
0x96: {  	s16 =	sld [smem:$0x10];
	(tm) =	ssettm $0x1  }
0x97: {  	s17 =	sld [smem:$0x3FFB];
	_ =	sdelay $0x3  }
0x98: {  	_ =	strace s17  }
0x99: {  	s3 =	sld [smem:$0x3FFC];
	_ =	sdelay $0x3  }
0x9a: {  	_ =	strace s3  }
0x9b: {  	s3 =	sld [smem:$0x3FFD];
	_ =	sdelay $0x3  }
0x9c: {  	_ =	strace s3  }
0x9d: {  	_ =	strace $0x8FFFFFFF  }
0x9e: {  	s18 =	sld [smem:$0x3FDB];
	_ =	sdelay $0x1  }
0x9f: {  	s19 =	simm.s32 $_scs_section_size  }
0xa0: {  	s5 =	simm.s32 $_size__tile_overlayer_lowered;
	s6 =	simm.s32 $_tile_overlayer_lowered  }
0xa1: {  	s22 =	simm.s32 $0x1BFF;
	s21 =	sshll.u32 s6, $0x1;
	s3 =	sadd.s32 s19, s18  }
0xa2: {  	s7 =	simm.s32 $0x0;
	s20 =	sshll.u32 s5, $0x1;
	s5 =	sadd.s32 s21, s3  }
0xa3: {  	[timem:s7], [sflag:s22] =	dma.local [hbm:s5], s20  }
0xa4: {  	_ =	swait.ge [sflag:s22], s20  }
0xa5: {  	s4 =	ssub.s32 $0x0, s20;
	[sflag:s22] =	ssyncset.done $0x0  }
0xa6: {  	[sflag:s22] =	ssyncadd.s32 s4;
	_ =	sdelay $0x1  }
0xa7: {  	s23 =	simm.s32 $0x1B8B  }
0xa8: {  	_ =	swait.ge [sflag:s23], $0x1  }
0xa9: {  	[sflag:s23] =	ssyncset.done $0x0  }
0xaa: {  	s25 =	simm.s32 $0x1B8E;
	s24 =	sld [smem:$0x3FFE];
	[sflag:s23] =	ssyncadd.s32 $0xFFFFFFFF  }
0xab: {  	s26 =	simm.s32 $execute0_lowered;
	[smem:$0x3FD2] =	sst s25  }
0xac: {  	s5 =	sshll.u32 s26, $0x1;
	_ =	strace $0x80000046;
	[dreg:$0x1] =	wrdreg $0xFFFFFFFF  }
0xad: {  	s28 =	simm.s32 $_size_execute0_lowered;
	s3 =	sadd.s32 s3, s5;
	[dreg:$0x0] =	wrdreg $0x0  }
0xae: {  	s5 =	sshll.u32 s28, $0x1;
	[dreg:$0x2] =	wrdreg s3  }
0xaf: {  	[dreg:$0x3] =	wrdreg s5  }
0xb0: {  	[dreg:$0x4] =	wrdreg $0xC0  }
0xb1: {  	_ =	task [dreg:s7], $0x5FFFF  }
0xb2: {  	[dreg:$0x1] =	wrdreg $0xFFFFFFFF  }
0xb3: {  	[dreg:$0x0] =	wrdreg $0x60  }
0xb4: {  	[dreg:$0x2] =	wrdreg s24  }
0xb5: {  	[dreg:$0x3] =	wrdreg s16  }
0xb6: {  	[dreg:$0x4] =	wrdreg $0x9  }
0xb7: {  	_ =	task.clear_ibuf [dreg:s7], $0x5FFFF;
	_ =	strace $0x90000046  }
0xb8: {  	s29 =	simm.s32 $0x9;
	_ =	strace $0x80000048  }
0xb9: {  	_ =	swait.ge [sflag:s29], $0x1  }
0xba: {  	[sflag:s29] =	ssyncadd.s32 $0xFFFFFFFF  }
0xbb: {  	_ =	strace $0x90000048  }
0xbc: {  	_ =	sfence  }
0xbd: {  	s30 =	sld [smem:$0x0];
	_ =	sdelay $0x2  }
0xbe: {  	s31 =	sshll.u32 s1, $0xD;
	s1 =	sshrl.u32 s1, $0x2  }
0xbf: {  	s3 =	sand.u32 $0x4000, s31;
	s1 =	sadd.s32 s1, s30  }
0xc0: {  	s0 =	sor.u32 s3, s0;
	s1 =	sshll.u32 s1, $0x11  }
0xc1: {  	s0 =	sor.u32 s1, s0  }
0xc2: {  	s0 =	sadd.s32 $0x8F2B, s0  }
0xc3: {  	[sflag:s0] =	ssyncadd.remote.s32 $0x1  }
0xc4: {  	_ =	sfence.sel $0xFFFF  }
0xc5: {  	[dreg:$0x0] =	wrdreg $0xFFFFFFFF;
	(pc) =	sbr.abs _section_cstart, $3  }
0xc6: {  	[dreg:$0x1] =	wrdreg $0xFFFFFFFF  }
0xc7: {  	_ =	task.clear_ibuf [dreg:s7], $0x2FFFF;
	_ =	strace $0x9FFFFFFF  }
0xc8: {  	(tm) =	ssettm $0x7FFFFFFF  }
0xc9: {  	_ =	shalt  }
tec
execute0_lowered:
.L_overlay_start_1:
0x0: {  	(tag) =	ssettag $0x1  }
0x1: {  	s0 =	rddreg [dreg:$0x0]  }
0x2: {  	s2 =	rddreg [dreg:$0x1];
	s3 =	simm.s32 $0x0;
	s1 =	srdreg.scid  }
0x3: {  	s4 =	stileid.u32;
	s15 =	simm.s32 $0xE800;
	s16 =	simm.s32 $0x1  }
0x4: {  	s17 =	simm.s32 $0x800;
	s14 =	simm.s32 $0x1C000;
	s23 =	simm.s32 $0x10400  }
0x5: {  	s12 =	simm.s32 $0x12400;
	s24 =	simm.s32 $0x14400;
	s18 =	simm.s32 $0x16400  }
0x6: {  	s25 =	simm.s32 $0x18400;
	s13 =	simm.s32 $0x1A400;
	s26 =	simm.s32 $0x1C400  }
0x7: {  	s19 =	simm.s32 $0x3;
	s28 =	simm.s32 $0x5;
	[smem:$0x7FF] =	sst s3  }
0x8: {  	s1 =	sand.u32 $0x1, s1;
	s5 =	sshll.u32 s4, $0x1;
	s4 =	sadd.s32 $0xE00, s0  }
0x9: {  	_ =	strace $0x80000047;
	s7 =	sor.u32 s1, s5;
	s1 =	ssub.s32 $0x2, s1  }
0xa: {  	s5 =	sadd.s32 $0x20400, s0;
	s6 =	sshll.u32 s7, $0x4;
	s8 =	smul.u32 $0x1C0000, s7  }
0xb: {  	s30 =	sshrl.u32 s1, $0x1;
	s9 =	sshll.u32 s7, $0xC;
	s0 =	sadd.s32 s6, s0  }
0xc: {  	v0 =	vimm.s32 $0xFEDCBA98;
	s1 =	ssub.s32 s1, s30;
	s6 =	sshll.u32 s7, $0x5;
	s9 =	sadd.s32 s2, s9  }
0xd: {  	v1 =	vimm.s32 $0x76543210;
	v0 =	vunpack.c.l.s4.s8 v0;
	s7 =	sshll.u32 s7, $0xF;
	s8 =	sshrl.u32 s8, $0x3;
	[dreg:$0x3] =	wrdreg s9  }
0xe: {  	v1 =	vunpack.c.l.s4.s8 v1;
	s9 =	sadd.s32 $0x80, s9;
	s10 =	sor.u32 $0x800, s7;
	s11 =	sor.u32 $0xC00, s7  }
0xf: {  	v2 =	vlaneseq.u32;
	v3 =	vunpack.c.0.s8.s32 v0;
	s0 =	sadd.s32 $0x20200, s0;
	s31 =	smax.u32 s1, $0x1;
	[dreg:$0x4] =	wrdreg s9  }
0x10: {  	vm0 =	vmmov $0xff;
	vm1 =	vmmov $0x3;
	v5 =	vunpack.c.0.s8.s32 v1;
	s1 =	simm.s32 $0x2;
	s8 =	sadd.s32 s5, s8;
	[dreg:$0x6] =	wrdreg s0  }
0x11: {  	v4 =	vshrl.u32 v2, $0x3;
	v0 =	vand.u32 $0x7, v2;
	v3 =	vand.u32 $0xF, v3;
	[dreg:$0x7] =	wrdreg s31;
	s0 =	simm.s32 $0x6;
	s8 =	sadd.s32 $0x36400, s8  }
0x12: {  	v1 =	vmul.u32 $0x8, v4;
	v2 =	vor.u32 $0x8, v2;
	s9 =	simm.s32 $0x4;
	v3 =	vcombine.low v3, v5;
	[dreg:$0x5] =	wrdreg s8;
	s8 =	simm.s32 $0x0  }
.LBB2_1:
0x13: {  	[dreg:$0x8] =	wrdreg s8  }
0x14: {  	s7 =	rddreg [dreg:$0x3]  }
0x15: {  	[tilespmem:s3], [sflag:$0x1] =	stream.linear.gather [hbm4b:s7+s3], $0x400, $0x38;
	[tilespmem:$0x1C880] =	vst v63  }
0x16: {  	s21 =	rddreg [dreg:$0x4];
	s22 =	simm.s32 $0x400  }
0x17: {  	[tilespmem:s22], [sflag:$0x2] =	stream.linear.gather [hbm4b:s21+s3], $0x400, $0x38;
	[tilespmem:$0x1C880] =	vst v63  }
0x18: {  	s30 =	rddreg [dreg:$0x5]  }
0x19: {  	[hbm4b:s30+s3] =	stream.linear.scatter [tilespmem:s15], [sflag:$0x6], $0xE000, $0x38;
	[tilespmem:$0x1C880] =	vst v63  }
0x1a: {  	_ =	swait.ge [sflag:s16], $0x400  }
0x1b: {  	[sflag:s16] =	ssyncset.done $0x0  }
0x1c: {  	[sflag:s16] =	ssyncadd.s32 $0xFFFFFC00  }
0x1d: {  	v4 =	vld [tilespmem:$0x0];
	_ =	sdelay $0x4  }
0x1e: {  	v5 =	vperm.xlane v4, v0;
	_ =	sdelay $0x1  }
0x1f: {  	v4 =	vperm.xlane v4, v2;
	v5 =	vadd.s32 v1, v5;
	_ =	sdelay $0x1  }
0x20: {  	v4 =	vadd.s32 v1, v4;
	_ =	sdelay $0x2  }
0x21: {  	[tilespmem:s17], [sflag:$0x3] =	stream.indirect_vreg.gather [hbm4b:s4+s3], $0x80, v5, vm0, $0xb8;
	[tilespmem:$0x1C880] =	vst v63  }
0x22: {  	s31 =	simm.s32 $0x2800  }
0x23: {  	[tilespmem:s31], [sflag:$0x3] =	stream.indirect_vreg.gather [hbm4b:s4+s3], $0x80, v4, vm0, $0xb8;
	[tilespmem:$0x1C880] =	vst v63  }
0x24: {  	v4 =	vld [tilespmem:$0x10];
	_ =	sdelay $0x4  }
0x25: {  	v5 =	vperm.xlane v4, v0;
	_ =	sdelay $0x1  }
0x26: {  	v4 =	vperm.xlane v4, v2;
	v5 =	vadd.s32 v1, v5;
	_ =	sdelay $0x1  }
0x27: {  	v4 =	vadd.s32 v1, v4;
	_ =	sdelay $0x1  }
0x28: {  	s8 =	simm.s32 $0x4800  }
0x29: {  	[tilespmem:s8], [sflag:$0x3] =	stream.indirect_vreg.gather [hbm4b:s4+s3], $0x80, v5, vm0, $0xb8;
	[tilespmem:$0x1C880] =	vst v63  }
0x2a: {  	s20 =	simm.s32 $0x6800  }
0x2b: {  	[tilespmem:s20], [sflag:$0x3] =	stream.indirect_vreg.gather [hbm4b:s4+s3], $0x80, v4, vm0, $0xb8;
	[tilespmem:$0x1C880] =	vst v63  }
0x2c: {  	v4 =	vld [tilespmem:$0x20];
	_ =	sdelay $0x4  }
0x2d: {  	v5 =	vperm.xlane v4, v0;
	_ =	sdelay $0x1  }
0x2e: {  	v4 =	vperm.xlane v4, v2;
	v5 =	vadd.s32 v1, v5;
	_ =	sdelay $0x1  }
0x2f: {  	v4 =	vadd.s32 v1, v4;
	_ =	sdelay $0x1  }
0x30: {  	s21 =	simm.s32 $0x8800  }
0x31: {  	[tilespmem:s21], [sflag:$0x3] =	stream.indirect_vreg.gather [hbm4b:s4+s3], $0x80, v5, vm0, $0xb8;
	[tilespmem:$0x1C880] =	vst v63  }
0x32: {  	s22 =	simm.s32 $0xA800  }
0x33: {  	[tilespmem:s22], [sflag:$0x3] =	stream.indirect_vreg.gather [hbm4b:s4+s3], $0x80, v4, vm0, $0xb8;
	[tilespmem:$0x1C880] =	vst v63  }
0x34: {  	v4 =	vld.msk [tilespmem:$0x30], $0x3;
	_ =	sdelay $0x4  }
0x35: {  	v4 =	vperm.xlane v4, v0;
	_ =	sdelay $0x1  }
0x36: {  	v4 =	vadd.s32 v1, v4;
	_ =	sdelay $0x3  }
0x37: {  	s30 =	simm.s32 $0xC800  }
0x38: {  	[tilespmem:s30], [sflag:$0x3] =	stream.indirect_vreg.gather [hbm4b:s4+s3], $0x80, v4, vm1, $0xb8;
	[tilespmem:$0x1C880] =	vst v63  }
0x39: {  	v4 =	vld [tilespmem:$0x80];
	_ =	sdelay $0x4  }
0x3a: {  	v5 =	vperm.xlane v4, v0;
	_ =	sdelay $0x1  }
0x3b: {  	v4 =	vperm.xlane v4, v2;
	v5 =	vadd.s32 v1, v5;
	_ =	sdelay $0x1  }
0x3c: {  	v4 =	vadd.s32 v1, v4;
	_ =	sdelay $0x1  }
0x3d: {  	s31 =	simm.s32 $0xC00  }
0x3e: {  	[tilespmem:s31], [sflag:$0x3] =	stream.indirect_vreg.gather [hbm4b:s4+s3], $0x80, v5, vm0, $0xb8;
	[tilespmem:$0x1C880] =	vst v63  }
0x3f: {  	s8 =	simm.s32 $0x2C00  }
0x40: {  	[tilespmem:s8], [sflag:$0x3] =	stream.indirect_vreg.gather [hbm4b:s4+s3], $0x80, v4, vm0, $0xb8;
	[tilespmem:$0x1C880] =	vst v63  }
0x41: {  	v4 =	vld [tilespmem:$0x90];
	_ =	sdelay $0x4  }
0x42: {  	v5 =	vperm.xlane v4, v0;
	_ =	sdelay $0x1  }
0x43: {  	v4 =	vperm.xlane v4, v2;
	v5 =	vadd.s32 v1, v5;
	_ =	sdelay $0x1  }
0x44: {  	v4 =	vadd.s32 v1, v4;
	_ =	sdelay $0x1  }
0x45: {  	s20 =	simm.s32 $0x4C00  }
0x46: {  	[tilespmem:s20], [sflag:$0x3] =	stream.indirect_vreg.gather [hbm4b:s4+s3], $0x80, v5, vm0, $0xb8;
	[tilespmem:$0x1C880] =	vst v63  }
0x47: {  	s21 =	simm.s32 $0x6C00  }
0x48: {  	[tilespmem:s21], [sflag:$0x3] =	stream.indirect_vreg.gather [hbm4b:s4+s3], $0x80, v4, vm0, $0xb8;
	[tilespmem:$0x1C880] =	vst v63  }
0x49: {  	v4 =	vld [tilespmem:$0xA0];
	_ =	sdelay $0x4  }
0x4a: {  	v5 =	vperm.xlane v4, v0;
	_ =	sdelay $0x1  }
0x4b: {  	v4 =	vperm.xlane v4, v2;
	v5 =	vadd.s32 v1, v5;
	_ =	sdelay $0x1  }
0x4c: {  	v4 =	vadd.s32 v1, v4;
	_ =	sdelay $0x1  }
0x4d: {  	s22 =	simm.s32 $0x8C00  }
0x4e: {  	[tilespmem:s22], [sflag:$0x3] =	stream.indirect_vreg.gather [hbm4b:s4+s3], $0x80, v5, vm0, $0xb8;
	[tilespmem:$0x1C880] =	vst v63  }
0x4f: {  	s30 =	simm.s32 $0xAC00  }
0x50: {  	[tilespmem:s30], [sflag:$0x3] =	stream.indirect_vreg.gather [hbm4b:s4+s3], $0x80, v4, vm0, $0xb8;
	[tilespmem:$0x1C880] =	vst v63  }
0x51: {  	v4 =	vld.msk [tilespmem:$0xB0], $0x3;
	_ =	sdelay $0x4  }
0x52: {  	v4 =	vperm.xlane v4, v0;
	_ =	sdelay $0x1  }
0x53: {  	v4 =	vadd.s32 v1, v4;
	_ =	sdelay $0x3  }
0x54: {  	s31 =	simm.s32 $0xCC00  }
0x55: {  	[tilespmem:s31], [sflag:$0x3] =	stream.indirect_vreg.gather [hbm4b:s4+s3], $0x80, v4, vm1, $0xb8;
	[tilespmem:$0x1C880] =	vst v63  }
0x56: {  	v4 =	vld [tilespmem:$0x100];
	_ =	sdelay $0x4  }
0x57: {  	v5 =	vperm.xlane v4, v0;
	_ =	sdelay $0x1  }
0x58: {  	v4 =	vperm.xlane v4, v2;
	v5 =	vadd.s32 v1, v5;
	_ =	sdelay $0x1  }
0x59: {  	v4 =	vadd.s32 v1, v4;
	_ =	sdelay $0x1  }
0x5a: {  	s8 =	simm.s32 $0x1000  }
0x5b: {  	[tilespmem:s8], [sflag:$0x3] =	stream.indirect_vreg.gather [hbm4b:s4+s3], $0x80, v5, vm0, $0xb8;
	[tilespmem:$0x1C880] =	vst v63  }
0x5c: {  	s20 =	simm.s32 $0x3000  }
0x5d: {  	[tilespmem:s20], [sflag:$0x3] =	stream.indirect_vreg.gather [hbm4b:s4+s3], $0x80, v4, vm0, $0xb8;
	[tilespmem:$0x1C880] =	vst v63  }
0x5e: {  	v4 =	vld [tilespmem:$0x110];
	_ =	sdelay $0x4  }
0x5f: {  	v5 =	vperm.xlane v4, v0;
	_ =	sdelay $0x1  }
0x60: {  	v4 =	vperm.xlane v4, v2;
	v5 =	vadd.s32 v1, v5;
	_ =	sdelay $0x1  }
0x61: {  	v4 =	vadd.s32 v1, v4;
	_ =	sdelay $0x1  }
0x62: {  	s21 =	simm.s32 $0x5000  }
0x63: {  	[tilespmem:s21], [sflag:$0x3] =	stream.indirect_vreg.gather [hbm4b:s4+s3], $0x80, v5, vm0, $0xb8;
	[tilespmem:$0x1C880] =	vst v63  }
0x64: {  	s22 =	simm.s32 $0x7000  }
0x65: {  	[tilespmem:s22], [sflag:$0x3] =	stream.indirect_vreg.gather [hbm4b:s4+s3], $0x80, v4, vm0, $0xb8;
	[tilespmem:$0x1C880] =	vst v63  }
0x66: {  	v4 =	vld [tilespmem:$0x120];
	_ =	sdelay $0x4  }
0x67: {  	v5 =	vperm.xlane v4, v0;
	_ =	sdelay $0x1  }
0x68: {  	v4 =	vperm.xlane v4, v2;
	v5 =	vadd.s32 v1, v5;
	_ =	sdelay $0x1  }
0x69: {  	v4 =	vadd.s32 v1, v4;
	_ =	sdelay $0x1  }
0x6a: {  	s30 =	simm.s32 $0x9000  }
0x6b: {  	[tilespmem:s30], [sflag:$0x3] =	stream.indirect_vreg.gather [hbm4b:s4+s3], $0x80, v5, vm0, $0xb8;
	[tilespmem:$0x1C880] =	vst v63  }
0x6c: {  	s31 =	simm.s32 $0xB000  }
0x6d: {  	[tilespmem:s31], [sflag:$0x3] =	stream.indirect_vreg.gather [hbm4b:s4+s3], $0x80, v4, vm0, $0xb8;
	[tilespmem:$0x1C880] =	vst v63  }
0x6e: {  	v4 =	vld.msk [tilespmem:$0x130], $0x3;
	_ =	sdelay $0x4  }
0x6f: {  	v4 =	vperm.xlane v4, v0;
	_ =	sdelay $0x1  }
0x70: {  	v4 =	vadd.s32 v1, v4;
	_ =	sdelay $0x3  }
0x71: {  	s8 =	simm.s32 $0xD000  }
0x72: {  	[tilespmem:s8], [sflag:$0x3] =	stream.indirect_vreg.gather [hbm4b:s4+s3], $0x80, v4, vm1, $0xb8;
	[tilespmem:$0x1C880] =	vst v63  }
0x73: {  	v4 =	vld [tilespmem:$0x180];
	_ =	sdelay $0x4  }
0x74: {  	v5 =	vperm.xlane v4, v0;
	_ =	sdelay $0x1  }
0x75: {  	v4 =	vperm.xlane v4, v2;
	v5 =	vadd.s32 v1, v5;
	_ =	sdelay $0x1  }
0x76: {  	v4 =	vadd.s32 v1, v4;
	_ =	sdelay $0x1  }
0x77: {  	s20 =	simm.s32 $0x1400  }
0x78: {  	[tilespmem:s20], [sflag:$0x3] =	stream.indirect_vreg.gather [hbm4b:s4+s3], $0x80, v5, vm0, $0xb8;
	[tilespmem:$0x1C880] =	vst v63  }
0x79: {  	s21 =	simm.s32 $0x3400  }
0x7a: {  	[tilespmem:s21], [sflag:$0x3] =	stream.indirect_vreg.gather [hbm4b:s4+s3], $0x80, v4, vm0, $0xb8;
	[tilespmem:$0x1C880] =	vst v63  }
0x7b: {  	v4 =	vld [tilespmem:$0x190];
	_ =	sdelay $0x4  }
0x7c: {  	v5 =	vperm.xlane v4, v0;
	_ =	sdelay $0x1  }
0x7d: {  	v4 =	vperm.xlane v4, v2;
	v5 =	vadd.s32 v1, v5;
	_ =	sdelay $0x1  }
0x7e: {  	v4 =	vadd.s32 v1, v4;
	_ =	sdelay $0x1  }
0x7f: {  	s22 =	simm.s32 $0x5400  }
0x80: {  	[tilespmem:s22], [sflag:$0x3] =	stream.indirect_vreg.gather [hbm4b:s4+s3], $0x80, v5, vm0, $0xb8;
	[tilespmem:$0x1C880] =	vst v63  }
0x81: {  	s30 =	simm.s32 $0x7400  }
0x82: {  	[tilespmem:s30], [sflag:$0x3] =	stream.indirect_vreg.gather [hbm4b:s4+s3], $0x80, v4, vm0, $0xb8;
	[tilespmem:$0x1C880] =	vst v63  }
0x83: {  	v4 =	vld [tilespmem:$0x1A0];
	_ =	sdelay $0x4  }
0x84: {  	v5 =	vperm.xlane v4, v0;
	_ =	sdelay $0x1  }
0x85: {  	v4 =	vperm.xlane v4, v2;
	v5 =	vadd.s32 v1, v5;
	_ =	sdelay $0x1  }
0x86: {  	v4 =	vadd.s32 v1, v4;
	_ =	sdelay $0x1  }
0x87: {  	s31 =	simm.s32 $0x9400  }
0x88: {  	[tilespmem:s31], [sflag:$0x3] =	stream.indirect_vreg.gather [hbm4b:s4+s3], $0x80, v5, vm0, $0xb8;
	[tilespmem:$0x1C880] =	vst v63  }
0x89: {  	s8 =	simm.s32 $0xB400  }
0x8a: {  	[tilespmem:s8], [sflag:$0x3] =	stream.indirect_vreg.gather [hbm4b:s4+s3], $0x80, v4, vm0, $0xb8;
	[tilespmem:$0x1C880] =	vst v63  }
0x8b: {  	v4 =	vld.msk [tilespmem:$0x1B0], $0x3;
	_ =	sdelay $0x4  }
0x8c: {  	v4 =	vperm.xlane v4, v0;
	_ =	sdelay $0x1  }
0x8d: {  	v4 =	vadd.s32 v1, v4;
	_ =	sdelay $0x3  }
0x8e: {  	s20 =	simm.s32 $0xD400  }
0x8f: {  	[tilespmem:s20], [sflag:$0x3] =	stream.indirect_vreg.gather [hbm4b:s4+s3], $0x80, v4, vm1, $0xb8;
	[tilespmem:$0x1C880] =	vst v63  }
0x90: {  	v4 =	vld [tilespmem:$0x200];
	_ =	sdelay $0x4  }
0x91: {  	v5 =	vperm.xlane v4, v0;
	_ =	sdelay $0x1  }
0x92: {  	v4 =	vperm.xlane v4, v2;
	v5 =	vadd.s32 v1, v5;
	_ =	sdelay $0x1  }
0x93: {  	v4 =	vadd.s32 v1, v4;
	_ =	sdelay $0x1  }
0x94: {  	s21 =	simm.s32 $0x1800  }
0x95: {  	[tilespmem:s21], [sflag:$0x3] =	stream.indirect_vreg.gather [hbm4b:s4+s3], $0x80, v5, vm0, $0xb8;
	[tilespmem:$0x1C880] =	vst v63  }
0x96: {  	s22 =	simm.s32 $0x3800  }
0x97: {  	[tilespmem:s22], [sflag:$0x3] =	stream.indirect_vreg.gather [hbm4b:s4+s3], $0x80, v4, vm0, $0xb8;
	[tilespmem:$0x1C880] =	vst v63  }
0x98: {  	v4 =	vld [tilespmem:$0x210];
	_ =	sdelay $0x4  }
0x99: {  	v5 =	vperm.xlane v4, v0;
	_ =	sdelay $0x1  }
0x9a: {  	v4 =	vperm.xlane v4, v2;
	v5 =	vadd.s32 v1, v5;
	_ =	sdelay $0x1  }
0x9b: {  	v4 =	vadd.s32 v1, v4;
	_ =	sdelay $0x1  }
0x9c: {  	s30 =	simm.s32 $0x5800  }
0x9d: {  	[tilespmem:s30], [sflag:$0x3] =	stream.indirect_vreg.gather [hbm4b:s4+s3], $0x80, v5, vm0, $0xb8;
	[tilespmem:$0x1C880] =	vst v63  }
0x9e: {  	s31 =	simm.s32 $0x7800  }
0x9f: {  	[tilespmem:s31], [sflag:$0x3] =	stream.indirect_vreg.gather [hbm4b:s4+s3], $0x80, v4, vm0, $0xb8;
	[tilespmem:$0x1C880] =	vst v63  }
0xa0: {  	v4 =	vld [tilespmem:$0x220];
	_ =	sdelay $0x4  }
0xa1: {  	v5 =	vperm.xlane v4, v0;
	_ =	sdelay $0x1  }
0xa2: {  	v4 =	vperm.xlane v4, v2;
	v5 =	vadd.s32 v1, v5;
	_ =	sdelay $0x1  }
0xa3: {  	v4 =	vadd.s32 v1, v4;
	_ =	sdelay $0x1  }
0xa4: {  	s8 =	simm.s32 $0x9800  }
0xa5: {  	[tilespmem:s8], [sflag:$0x3] =	stream.indirect_vreg.gather [hbm4b:s4+s3], $0x80, v5, vm0, $0xb8;
	[tilespmem:$0x1C880] =	vst v63  }
0xa6: {  	s20 =	simm.s32 $0xB800  }
0xa7: {  	[tilespmem:s20], [sflag:$0x3] =	stream.indirect_vreg.gather [hbm4b:s4+s3], $0x80, v4, vm0, $0xb8;
	[tilespmem:$0x1C880] =	vst v63  }
0xa8: {  	v4 =	vld.msk [tilespmem:$0x230], $0x3;
	_ =	sdelay $0x4  }
0xa9: {  	v4 =	vperm.xlane v4, v0;
	_ =	sdelay $0x1  }
0xaa: {  	v4 =	vadd.s32 v1, v4;
	_ =	sdelay $0x3  }
0xab: {  	s21 =	simm.s32 $0xD800  }
0xac: {  	[tilespmem:s21], [sflag:$0x3] =	stream.indirect_vreg.gather [hbm4b:s4+s3], $0x80, v4, vm1, $0xb8;
	[tilespmem:$0x1C880] =	vst v63  }
0xad: {  	v4 =	vld [tilespmem:$0x280];
	_ =	sdelay $0x4  }
0xae: {  	v5 =	vperm.xlane v4, v0;
	_ =	sdelay $0x1  }
0xaf: {  	v4 =	vperm.xlane v4, v2;
	v5 =	vadd.s32 v1, v5;
	_ =	sdelay $0x1  }
0xb0: {  	v4 =	vadd.s32 v1, v4;
	_ =	sdelay $0x1  }
0xb1: {  	s22 =	simm.s32 $0x1C00  }
0xb2: {  	[tilespmem:s22], [sflag:$0x3] =	stream.indirect_vreg.gather [hbm4b:s4+s3], $0x80, v5, vm0, $0xb8;
	[tilespmem:$0x1C880] =	vst v63  }
0xb3: {  	s30 =	simm.s32 $0x3C00  }
0xb4: {  	[tilespmem:s30], [sflag:$0x3] =	stream.indirect_vreg.gather [hbm4b:s4+s3], $0x80, v4, vm0, $0xb8;
	[tilespmem:$0x1C880] =	vst v63  }
0xb5: {  	v4 =	vld [tilespmem:$0x290];
	_ =	sdelay $0x4  }
0xb6: {  	v5 =	vperm.xlane v4, v0;
	_ =	sdelay $0x1  }
0xb7: {  	v4 =	vperm.xlane v4, v2;
	v5 =	vadd.s32 v1, v5;
	_ =	sdelay $0x1  }
0xb8: {  	v4 =	vadd.s32 v1, v4;
	_ =	sdelay $0x1  }
0xb9: {  	s31 =	simm.s32 $0x5C00  }
0xba: {  	[tilespmem:s31], [sflag:$0x3] =	stream.indirect_vreg.gather [hbm4b:s4+s3], $0x80, v5, vm0, $0xb8;
	[tilespmem:$0x1C880] =	vst v63  }
0xbb: {  	s8 =	simm.s32 $0x7C00  }
0xbc: {  	[tilespmem:s8], [sflag:$0x3] =	stream.indirect_vreg.gather [hbm4b:s4+s3], $0x80, v4, vm0, $0xb8;
	[tilespmem:$0x1C880] =	vst v63  }
0xbd: {  	v4 =	vld [tilespmem:$0x2A0];
	_ =	sdelay $0x4  }
0xbe: {  	v5 =	vperm.xlane v4, v0;
	_ =	sdelay $0x1  }
0xbf: {  	v4 =	vperm.xlane v4, v2;
	v5 =	vadd.s32 v1, v5;
	_ =	sdelay $0x1  }
0xc0: {  	v4 =	vadd.s32 v1, v4;
	_ =	sdelay $0x1  }
0xc1: {  	s20 =	simm.s32 $0x9C00  }
0xc2: {  	[tilespmem:s20], [sflag:$0x3] =	stream.indirect_vreg.gather [hbm4b:s4+s3], $0x80, v5, vm0, $0xb8;
	[tilespmem:$0x1C880] =	vst v63  }
0xc3: {  	s21 =	simm.s32 $0xBC00  }
0xc4: {  	[tilespmem:s21], [sflag:$0x3] =	stream.indirect_vreg.gather [hbm4b:s4+s3], $0x80, v4, vm0, $0xb8;
	[tilespmem:$0x1C880] =	vst v63  }
0xc5: {  	v4 =	vld.msk [tilespmem:$0x2B0], $0x3;
	_ =	sdelay $0x4  }
0xc6: {  	v4 =	vperm.xlane v4, v0;
	_ =	sdelay $0x1  }
0xc7: {  	v4 =	vadd.s32 v1, v4;
	_ =	sdelay $0x3  }
0xc8: {  	s22 =	simm.s32 $0xDC00  }
0xc9: {  	[tilespmem:s22], [sflag:$0x3] =	stream.indirect_vreg.gather [hbm4b:s4+s3], $0x80, v4, vm1, $0xb8;
	[tilespmem:$0x1C880] =	vst v63  }
0xca: {  	v4 =	vld [tilespmem:$0x300];
	_ =	sdelay $0x4  }
0xcb: {  	v5 =	vperm.xlane v4, v0;
	_ =	sdelay $0x1  }
0xcc: {  	v4 =	vperm.xlane v4, v2;
	v5 =	vadd.s32 v1, v5;
	_ =	sdelay $0x1  }
0xcd: {  	v4 =	vadd.s32 v1, v4;
	_ =	sdelay $0x1  }
0xce: {  	s30 =	simm.s32 $0x2000  }
0xcf: {  	[tilespmem:s30], [sflag:$0x3] =	stream.indirect_vreg.gather [hbm4b:s4+s3], $0x80, v5, vm0, $0xb8;
	[tilespmem:$0x1C880] =	vst v63  }
0xd0: {  	s31 =	simm.s32 $0x4000  }
0xd1: {  	[tilespmem:s31], [sflag:$0x3] =	stream.indirect_vreg.gather [hbm4b:s4+s3], $0x80, v4, vm0, $0xb8;
	[tilespmem:$0x1C880] =	vst v63  }
0xd2: {  	v4 =	vld [tilespmem:$0x310];
	_ =	sdelay $0x4  }
0xd3: {  	v5 =	vperm.xlane v4, v0;
	_ =	sdelay $0x1  }
0xd4: {  	v4 =	vperm.xlane v4, v2;
	v5 =	vadd.s32 v1, v5;
	_ =	sdelay $0x1  }
0xd5: {  	v4 =	vadd.s32 v1, v4;
	_ =	sdelay $0x1  }
0xd6: {  	s8 =	simm.s32 $0x6000  }
0xd7: {  	[tilespmem:s8], [sflag:$0x3] =	stream.indirect_vreg.gather [hbm4b:s4+s3], $0x80, v5, vm0, $0xb8;
	[tilespmem:$0x1C880] =	vst v63  }
0xd8: {  	s20 =	simm.s32 $0x8000  }
0xd9: {  	[tilespmem:s20], [sflag:$0x3] =	stream.indirect_vreg.gather [hbm4b:s4+s3], $0x80, v4, vm0, $0xb8;
	[tilespmem:$0x1C880] =	vst v63  }
0xda: {  	v4 =	vld [tilespmem:$0x320];
	_ =	sdelay $0x4  }
0xdb: {  	v5 =	vperm.xlane v4, v0;
	_ =	sdelay $0x1  }
0xdc: {  	v4 =	vperm.xlane v4, v2;
	v5 =	vadd.s32 v1, v5;
	_ =	sdelay $0x1  }
0xdd: {  	v4 =	vadd.s32 v1, v4;
	_ =	sdelay $0x1  }
0xde: {  	s21 =	simm.s32 $0xA000  }
0xdf: {  	[tilespmem:s21], [sflag:$0x3] =	stream.indirect_vreg.gather [hbm4b:s4+s3], $0x80, v5, vm0, $0xb8;
	[tilespmem:$0x1C880] =	vst v63  }
0xe0: {  	s22 =	simm.s32 $0xC000  }
0xe1: {  	[tilespmem:s22], [sflag:$0x3] =	stream.indirect_vreg.gather [hbm4b:s4+s3], $0x80, v4, vm0, $0xb8;
	[tilespmem:$0x1C880] =	vst v63  }
0xe2: {  	v4 =	vld.msk [tilespmem:$0x330], $0x3;
	_ =	sdelay $0x4  }
0xe3: {  	v4 =	vperm.xlane v4, v0;
	_ =	sdelay $0x1  }
0xe4: {  	v4 =	vadd.s32 v1, v4;
	_ =	sdelay $0x3  }
0xe5: {  	s30 =	simm.s32 $0xE000  }
0xe6: {  	[tilespmem:s30], [sflag:$0x3] =	stream.indirect_vreg.gather [hbm4b:s4+s3], $0x80, v4, vm1, $0xb8;
	[tilespmem:$0x1C880] =	vst v63  }
0xe7: {  	v4 =	vld [tilespmem:$0x380];
	_ =	sdelay $0x4  }
0xe8: {  	v5 =	vperm.xlane v4, v0;
	_ =	sdelay $0x1  }
0xe9: {  	v4 =	vperm.xlane v4, v2;
	v5 =	vadd.s32 v1, v5;
	_ =	sdelay $0x1  }
0xea: {  	v4 =	vadd.s32 v1, v4;
	_ =	sdelay $0x1  }
0xeb: {  	s31 =	simm.s32 $0x2400  }
0xec: {  	[tilespmem:s31], [sflag:$0x3] =	stream.indirect_vreg.gather [hbm4b:s4+s3], $0x80, v5, vm0, $0xb8;
	[tilespmem:$0x1C880] =	vst v63  }
0xed: {  	s8 =	simm.s32 $0x4400  }
0xee: {  	[tilespmem:s8], [sflag:$0x3] =	stream.indirect_vreg.gather [hbm4b:s4+s3], $0x80, v4, vm0, $0xb8;
	[tilespmem:$0x1C880] =	vst v63  }
0xef: {  	v4 =	vld [tilespmem:$0x390];
	_ =	sdelay $0x4  }
0xf0: {  	v5 =	vperm.xlane v4, v0;
	_ =	sdelay $0x1  }
0xf1: {  	v4 =	vperm.xlane v4, v2;
	v5 =	vadd.s32 v1, v5;
	_ =	sdelay $0x1  }
0xf2: {  	v4 =	vadd.s32 v1, v4;
	_ =	sdelay $0x1  }
0xf3: {  	s20 =	simm.s32 $0x6400  }
0xf4: {  	[tilespmem:s20], [sflag:$0x3] =	stream.indirect_vreg.gather [hbm4b:s4+s3], $0x80, v5, vm0, $0xb8;
	[tilespmem:$0x1C880] =	vst v63  }
0xf5: {  	s21 =	simm.s32 $0x8400  }
0xf6: {  	[tilespmem:s21], [sflag:$0x3] =	stream.indirect_vreg.gather [hbm4b:s4+s3], $0x80, v4, vm0, $0xb8;
	[tilespmem:$0x1C880] =	vst v63  }
0xf7: {  	v4 =	vld [tilespmem:$0x3A0];
	_ =	sdelay $0x4  }
0xf8: {  	v5 =	vperm.xlane v4, v0;
	_ =	sdelay $0x1  }
0xf9: {  	v4 =	vperm.xlane v4, v2;
	v5 =	vadd.s32 v1, v5;
	_ =	sdelay $0x1  }
0xfa: {  	v4 =	vadd.s32 v1, v4;
	_ =	sdelay $0x1  }
0xfb: {  	s22 =	simm.s32 $0xA400  }
0xfc: {  	[tilespmem:s22], [sflag:$0x3] =	stream.indirect_vreg.gather [hbm4b:s4+s3], $0x80, v5, vm0, $0xb8;
	[tilespmem:$0x1C880] =	vst v63  }
0xfd: {  	s30 =	simm.s32 $0xC400  }
0xfe: {  	[tilespmem:s30], [sflag:$0x3] =	stream.indirect_vreg.gather [hbm4b:s4+s3], $0x80, v4, vm0, $0xb8;
	[tilespmem:$0x1C880] =	vst v63  }
0xff: {  	v4 =	vld.msk [tilespmem:$0x3B0], $0x3;
	_ =	sdelay $0x4  }
0x100: {  	v4 =	vperm.xlane v4, v0;
	_ =	sdelay $0x1  }
0x101: {  	v4 =	vadd.s32 v1, v4;
	_ =	sdelay $0x3  }
0x102: {  	s29 =	simm.s32 $0x0;
	s31 =	simm.s32 $0xE400  }
0x103: {  	v5 =	vimm.f32 $0.0e+00;
	[tilespmem:s31], [sflag:$0x3] =	stream.indirect_vreg.gather [hbm4b:s4+s3], $0x80, v4, vm1, $0xb8;
	v4 =	vimm.f32 $0.0e+00;
	[tilespmem:$0x1C880] =	vst v63  }
.LBB2_2:
0x104: {  	_ =	swait.ge [sflag:s0], $0xE000  }
0x105: {  	[sflag:s0] =	ssyncset.done $0x0  }
0x106: {  	[sflag:s0] =	ssyncadd.s32 $0xFFFF2000  }
0x107: {  	_ =	swait.ge [sflag:s1], $0x400  }
0x108: {  	[sflag:s1] =	ssyncset.done $0x0  }
0x109: {  	[sflag:s1] =	ssyncadd.s32 $0xFFFFFC00  }
0x10a: {  	v6 =	vld [tilespmem:$0x400];
	_ =	sdelay $0x4  }
0x10b: {  	v7 =	vperm.xlane v6, v0;
	_ =	sdelay $0x1  }
0x10c: {  	v6 =	vperm.xlane v6, v2;
	v7 =	vadd.s32 v1, v7;
	_ =	sdelay $0x1  }
0x10d: {  	v6 =	vadd.s32 v1, v6;
	_ =	sdelay $0x1  }
0x10e: {  	s20 =	simm.s32 $0x0  }
0x10f: {  	[tilespmem:s15], [sflag:$0x4] =	stream.indirect_vreg.gather [hbm4b:s4+s20], $0x80, v7, vm0, $0xb8;
	[tilespmem:$0x1C880] =	vst v63  }
0x110: {  	s7 =	simm.s32 $0x10800  }
0x111: {  	[tilespmem:s7], [sflag:$0x4] =	stream.indirect_vreg.gather [hbm4b:s4+s20], $0x80, v6, vm0, $0xb8;
	[tilespmem:$0x1C880] =	vst v63  }
0x112: {  	v6 =	vld [tilespmem:$0x410];
	_ =	sdelay $0x4  }
0x113: {  	v7 =	vperm.xlane v6, v0;
	_ =	sdelay $0x1  }
0x114: {  	v6 =	vperm.xlane v6, v2;
	v7 =	vadd.s32 v1, v7;
	_ =	sdelay $0x1  }
0x115: {  	v6 =	vadd.s32 v1, v6;
	_ =	sdelay $0x1  }
0x116: {  	s21 =	simm.s32 $0x12800  }
0x117: {  	[tilespmem:s21], [sflag:$0x4] =	stream.indirect_vreg.gather [hbm4b:s4+s20], $0x80, v7, vm0, $0xb8;
	[tilespmem:$0x1C880] =	vst v63  }
0x118: {  	s22 =	simm.s32 $0x14800  }
0x119: {  	[tilespmem:s22], [sflag:$0x4] =	stream.indirect_vreg.gather [hbm4b:s4+s20], $0x80, v6, vm0, $0xb8;
	[tilespmem:$0x1C880] =	vst v63  }
0x11a: {  	v6 =	vld [tilespmem:$0x420];
	_ =	sdelay $0x4  }
0x11b: {  	v7 =	vperm.xlane v6, v0;
	_ =	sdelay $0x1  }
0x11c: {  	v6 =	vperm.xlane v6, v2;
	v7 =	vadd.s32 v1, v7;
	_ =	sdelay $0x1  }
0x11d: {  	v6 =	vadd.s32 v1, v6;
	_ =	sdelay $0x1  }
0x11e: {  	s8 =	simm.s32 $0x16800  }
0x11f: {  	[tilespmem:s8], [sflag:$0x4] =	stream.indirect_vreg.gather [hbm4b:s4+s20], $0x80, v7, vm0, $0xb8;
	[tilespmem:$0x1C880] =	vst v63  }
0x120: {  	s21 =	simm.s32 $0x18800  }
0x121: {  	[tilespmem:s21], [sflag:$0x4] =	stream.indirect_vreg.gather [hbm4b:s4+s20], $0x80, v6, vm0, $0xb8;
	[tilespmem:$0x1C880] =	vst v63  }
0x122: {  	v6 =	vld.msk [tilespmem:$0x430], $0x3;
	_ =	sdelay $0x4  }
0x123: {  	v6 =	vperm.xlane v6, v0;
	_ =	sdelay $0x1  }
0x124: {  	v6 =	vadd.s32 v1, v6;
	_ =	sdelay $0x3  }
0x125: {  	s22 =	simm.s32 $0x1A800  }
0x126: {  	[tilespmem:s22], [sflag:$0x4] =	stream.indirect_vreg.gather [hbm4b:s4+s20], $0x80, v6, vm1, $0xb8;
	[tilespmem:$0x1C880] =	vst v63  }
0x127: {  	v6 =	vld [tilespmem:$0x480];
	_ =	sdelay $0x4  }
0x128: {  	v7 =	vperm.xlane v6, v0;
	_ =	sdelay $0x1  }
0x129: {  	v6 =	vperm.xlane v6, v2;
	v7 =	vadd.s32 v1, v7;
	_ =	sdelay $0x1  }
0x12a: {  	v6 =	vadd.s32 v1, v6;
	_ =	sdelay $0x1  }
0x12b: {  	s8 =	simm.s32 $0xEC00  }
0x12c: {  	[tilespmem:s8], [sflag:$0x4] =	stream.indirect_vreg.gather [hbm4b:s4+s20], $0x80, v7, vm0, $0xb8;
	[tilespmem:$0x1C880] =	vst v63  }
0x12d: {  	s21 =	simm.s32 $0x10C00  }
0x12e: {  	[tilespmem:s21], [sflag:$0x4] =	stream.indirect_vreg.gather [hbm4b:s4+s20], $0x80, v6, vm0, $0xb8;
	[tilespmem:$0x1C880] =	vst v63  }
0x12f: {  	v6 =	vld [tilespmem:$0x490];
	_ =	sdelay $0x4  }
0x130: {  	v7 =	vperm.xlane v6, v0;
	_ =	sdelay $0x1  }
0x131: {  	v6 =	vperm.xlane v6, v2;
	v7 =	vadd.s32 v1, v7;
	_ =	sdelay $0x1  }
0x132: {  	v6 =	vadd.s32 v1, v6;
	_ =	sdelay $0x1  }
0x133: {  	s22 =	simm.s32 $0x12C00  }
0x134: {  	[tilespmem:s22], [sflag:$0x4] =	stream.indirect_vreg.gather [hbm4b:s4+s20], $0x80, v7, vm0, $0xb8;
	[tilespmem:$0x1C880] =	vst v63  }
0x135: {  	s8 =	simm.s32 $0x14C00  }
0x136: {  	[tilespmem:s8], [sflag:$0x4] =	stream.indirect_vreg.gather [hbm4b:s4+s20], $0x80, v6, vm0, $0xb8;
	[tilespmem:$0x1C880] =	vst v63  }
0x137: {  	v6 =	vld [tilespmem:$0x4A0];
	_ =	sdelay $0x4  }
0x138: {  	v7 =	vperm.xlane v6, v0;
	_ =	sdelay $0x1  }
0x139: {  	v6 =	vperm.xlane v6, v2;
	v7 =	vadd.s32 v1, v7;
	_ =	sdelay $0x1  }
0x13a: {  	v6 =	vadd.s32 v1, v6;
	_ =	sdelay $0x1  }
0x13b: {  	s21 =	simm.s32 $0x16C00  }
0x13c: {  	[tilespmem:s21], [sflag:$0x4] =	stream.indirect_vreg.gather [hbm4b:s4+s20], $0x80, v7, vm0, $0xb8;
	[tilespmem:$0x1C880] =	vst v63  }
0x13d: {  	s22 =	simm.s32 $0x18C00  }
0x13e: {  	[tilespmem:s22], [sflag:$0x4] =	stream.indirect_vreg.gather [hbm4b:s4+s20], $0x80, v6, vm0, $0xb8;
	[tilespmem:$0x1C880] =	vst v63  }
0x13f: {  	v6 =	vld.msk [tilespmem:$0x4B0], $0x3;
	_ =	sdelay $0x4  }
0x140: {  	v6 =	vperm.xlane v6, v0;
	_ =	sdelay $0x1  }
0x141: {  	v6 =	vadd.s32 v1, v6;
	_ =	sdelay $0x3  }
0x142: {  	s8 =	simm.s32 $0x1AC00  }
0x143: {  	[tilespmem:s8], [sflag:$0x4] =	stream.indirect_vreg.gather [hbm4b:s4+s20], $0x80, v6, vm1, $0xb8;
	[tilespmem:$0x1C880] =	vst v63  }
0x144: {  	v6 =	vld [tilespmem:$0x500];
	_ =	sdelay $0x4  }
0x145: {  	v7 =	vperm.xlane v6, v0;
	_ =	sdelay $0x1  }
0x146: {  	v6 =	vperm.xlane v6, v2;
	v7 =	vadd.s32 v1, v7;
	_ =	sdelay $0x1  }
0x147: {  	v6 =	vadd.s32 v1, v6;
	_ =	sdelay $0x1  }
0x148: {  	s21 =	simm.s32 $0xF000  }
0x149: {  	[tilespmem:s21], [sflag:$0x4] =	stream.indirect_vreg.gather [hbm4b:s4+s20], $0x80, v7, vm0, $0xb8;
	[tilespmem:$0x1C880] =	vst v63  }
0x14a: {  	s22 =	simm.s32 $0x11000  }
0x14b: {  	[tilespmem:s22], [sflag:$0x4] =	stream.indirect_vreg.gather [hbm4b:s4+s20], $0x80, v6, vm0, $0xb8;
	[tilespmem:$0x1C880] =	vst v63  }
0x14c: {  	v6 =	vld [tilespmem:$0x510];
	_ =	sdelay $0x4  }
0x14d: {  	v7 =	vperm.xlane v6, v0;
	_ =	sdelay $0x1  }
0x14e: {  	v6 =	vperm.xlane v6, v2;
	v7 =	vadd.s32 v1, v7;
	_ =	sdelay $0x1  }
0x14f: {  	v6 =	vadd.s32 v1, v6;
	_ =	sdelay $0x1  }
0x150: {  	s8 =	simm.s32 $0x13000  }
0x151: {  	[tilespmem:s8], [sflag:$0x4] =	stream.indirect_vreg.gather [hbm4b:s4+s20], $0x80, v7, vm0, $0xb8;
	[tilespmem:$0x1C880] =	vst v63  }
0x152: {  	s21 =	simm.s32 $0x15000  }
0x153: {  	[tilespmem:s21], [sflag:$0x4] =	stream.indirect_vreg.gather [hbm4b:s4+s20], $0x80, v6, vm0, $0xb8;
	[tilespmem:$0x1C880] =	vst v63  }
0x154: {  	v6 =	vld [tilespmem:$0x520];
	_ =	sdelay $0x4  }
0x155: {  	v7 =	vperm.xlane v6, v0;
	_ =	sdelay $0x1  }
0x156: {  	v6 =	vperm.xlane v6, v2;
	v7 =	vadd.s32 v1, v7;
	_ =	sdelay $0x1  }
0x157: {  	v6 =	vadd.s32 v1, v6;
	_ =	sdelay $0x1  }
0x158: {  	s22 =	simm.s32 $0x17000  }
0x159: {  	[tilespmem:s22], [sflag:$0x4] =	stream.indirect_vreg.gather [hbm4b:s4+s20], $0x80, v7, vm0, $0xb8;
	[tilespmem:$0x1C880] =	vst v63  }
0x15a: {  	s8 =	simm.s32 $0x19000  }
0x15b: {  	[tilespmem:s8], [sflag:$0x4] =	stream.indirect_vreg.gather [hbm4b:s4+s20], $0x80, v6, vm0, $0xb8;
	[tilespmem:$0x1C880] =	vst v63  }
0x15c: {  	v6 =	vld.msk [tilespmem:$0x530], $0x3;
	_ =	sdelay $0x4  }
0x15d: {  	v6 =	vperm.xlane v6, v0;
	_ =	sdelay $0x1  }
0x15e: {  	v6 =	vadd.s32 v1, v6;
	_ =	sdelay $0x3  }
0x15f: {  	s21 =	simm.s32 $0x1B000  }
0x160: {  	[tilespmem:s21], [sflag:$0x4] =	stream.indirect_vreg.gather [hbm4b:s4+s20], $0x80, v6, vm1, $0xb8;
	[tilespmem:$0x1C880] =	vst v63  }
0x161: {  	v6 =	vld [tilespmem:$0x580];
	_ =	sdelay $0x4  }
0x162: {  	v7 =	vperm.xlane v6, v0;
	_ =	sdelay $0x1  }
0x163: {  	v6 =	vperm.xlane v6, v2;
	v7 =	vadd.s32 v1, v7;
	_ =	sdelay $0x1  }
0x164: {  	v6 =	vadd.s32 v1, v6;
	_ =	sdelay $0x1  }
0x165: {  	s22 =	simm.s32 $0xF400  }
0x166: {  	[tilespmem:s22], [sflag:$0x4] =	stream.indirect_vreg.gather [hbm4b:s4+s20], $0x80, v7, vm0, $0xb8;
	[tilespmem:$0x1C880] =	vst v63  }
0x167: {  	s8 =	simm.s32 $0x11400  }
0x168: {  	[tilespmem:s8], [sflag:$0x4] =	stream.indirect_vreg.gather [hbm4b:s4+s20], $0x80, v6, vm0, $0xb8;
	[tilespmem:$0x1C880] =	vst v63  }
0x169: {  	v6 =	vld [tilespmem:$0x590];
	_ =	sdelay $0x4  }
0x16a: {  	v7 =	vperm.xlane v6, v0;
	_ =	sdelay $0x1  }
0x16b: {  	v6 =	vperm.xlane v6, v2;
	v7 =	vadd.s32 v1, v7;
	_ =	sdelay $0x1  }
0x16c: {  	v6 =	vadd.s32 v1, v6;
	_ =	sdelay $0x1  }
0x16d: {  	s21 =	simm.s32 $0x13400  }
0x16e: {  	[tilespmem:s21], [sflag:$0x4] =	stream.indirect_vreg.gather [hbm4b:s4+s20], $0x80, v7, vm0, $0xb8;
	[tilespmem:$0x1C880] =	vst v63  }
0x16f: {  	s22 =	simm.s32 $0x15400  }
0x170: {  	[tilespmem:s22], [sflag:$0x4] =	stream.indirect_vreg.gather [hbm4b:s4+s20], $0x80, v6, vm0, $0xb8;
	[tilespmem:$0x1C880] =	vst v63  }
0x171: {  	v6 =	vld [tilespmem:$0x5A0];
	_ =	sdelay $0x4  }
0x172: {  	v7 =	vperm.xlane v6, v0;
	_ =	sdelay $0x1  }
0x173: {  	v6 =	vperm.xlane v6, v2;
	v7 =	vadd.s32 v1, v7;
	_ =	sdelay $0x1  }
0x174: {  	v6 =	vadd.s32 v1, v6;
	_ =	sdelay $0x1  }
0x175: {  	s8 =	simm.s32 $0x17400  }
0x176: {  	[tilespmem:s8], [sflag:$0x4] =	stream.indirect_vreg.gather [hbm4b:s4+s20], $0x80, v7, vm0, $0xb8;
	[tilespmem:$0x1C880] =	vst v63  }
0x177: {  	s21 =	simm.s32 $0x19400  }
0x178: {  	[tilespmem:s21], [sflag:$0x4] =	stream.indirect_vreg.gather [hbm4b:s4+s20], $0x80, v6, vm0, $0xb8;
	[tilespmem:$0x1C880] =	vst v63  }
0x179: {  	v6 =	vld.msk [tilespmem:$0x5B0], $0x3;
	_ =	sdelay $0x4  }
0x17a: {  	v6 =	vperm.xlane v6, v0;
	_ =	sdelay $0x1  }
0x17b: {  	v6 =	vadd.s32 v1, v6;
	_ =	sdelay $0x3  }
0x17c: {  	s22 =	simm.s32 $0x1B400  }
0x17d: {  	[tilespmem:s22], [sflag:$0x4] =	stream.indirect_vreg.gather [hbm4b:s4+s20], $0x80, v6, vm1, $0xb8;
	[tilespmem:$0x1C880] =	vst v63  }
0x17e: {  	v6 =	vld [tilespmem:$0x600];
	_ =	sdelay $0x4  }
0x17f: {  	v7 =	vperm.xlane v6, v0;
	_ =	sdelay $0x1  }
0x180: {  	v6 =	vperm.xlane v6, v2;
	v7 =	vadd.s32 v1, v7;
	_ =	sdelay $0x1  }
0x181: {  	v6 =	vadd.s32 v1, v6;
	_ =	sdelay $0x1  }
0x182: {  	s8 =	simm.s32 $0xF800  }
0x183: {  	[tilespmem:s8], [sflag:$0x4] =	stream.indirect_vreg.gather [hbm4b:s4+s20], $0x80, v7, vm0, $0xb8;
	[tilespmem:$0x1C880] =	vst v63  }
0x184: {  	s21 =	simm.s32 $0x11800  }
0x185: {  	[tilespmem:s21], [sflag:$0x4] =	stream.indirect_vreg.gather [hbm4b:s4+s20], $0x80, v6, vm0, $0xb8;
	[tilespmem:$0x1C880] =	vst v63  }
0x186: {  	v6 =	vld [tilespmem:$0x610];
	_ =	sdelay $0x4  }
0x187: {  	v7 =	vperm.xlane v6, v0;
	_ =	sdelay $0x1  }
0x188: {  	v6 =	vperm.xlane v6, v2;
	v7 =	vadd.s32 v1, v7;
	_ =	sdelay $0x1  }
0x189: {  	v6 =	vadd.s32 v1, v6;
	_ =	sdelay $0x1  }
0x18a: {  	s22 =	simm.s32 $0x13800  }
0x18b: {  	[tilespmem:s22], [sflag:$0x4] =	stream.indirect_vreg.gather [hbm4b:s4+s20], $0x80, v7, vm0, $0xb8;
	[tilespmem:$0x1C880] =	vst v63  }
0x18c: {  	s8 =	simm.s32 $0x15800  }
0x18d: {  	[tilespmem:s8], [sflag:$0x4] =	stream.indirect_vreg.gather [hbm4b:s4+s20], $0x80, v6, vm0, $0xb8;
	[tilespmem:$0x1C880] =	vst v63  }
0x18e: {  	v6 =	vld [tilespmem:$0x620];
	_ =	sdelay $0x4  }
0x18f: {  	v7 =	vperm.xlane v6, v0;
	_ =	sdelay $0x1  }
0x190: {  	v6 =	vperm.xlane v6, v2;
	v7 =	vadd.s32 v1, v7;
	_ =	sdelay $0x1  }
0x191: {  	v6 =	vadd.s32 v1, v6;
	_ =	sdelay $0x1  }
0x192: {  	s21 =	simm.s32 $0x17800  }
0x193: {  	[tilespmem:s21], [sflag:$0x4] =	stream.indirect_vreg.gather [hbm4b:s4+s20], $0x80, v7, vm0, $0xb8;
	[tilespmem:$0x1C880] =	vst v63  }
0x194: {  	s22 =	simm.s32 $0x19800  }
0x195: {  	[tilespmem:s22], [sflag:$0x4] =	stream.indirect_vreg.gather [hbm4b:s4+s20], $0x80, v6, vm0, $0xb8;
	[tilespmem:$0x1C880] =	vst v63  }
0x196: {  	v6 =	vld.msk [tilespmem:$0x630], $0x3;
	_ =	sdelay $0x4  }
0x197: {  	v6 =	vperm.xlane v6, v0;
	_ =	sdelay $0x1  }
0x198: {  	v6 =	vadd.s32 v1, v6;
	_ =	sdelay $0x3  }
0x199: {  	s8 =	simm.s32 $0x1B800  }
0x19a: {  	[tilespmem:s8], [sflag:$0x4] =	stream.indirect_vreg.gather [hbm4b:s4+s20], $0x80, v6, vm1, $0xb8;
	[tilespmem:$0x1C880] =	vst v63  }
0x19b: {  	v6 =	vld [tilespmem:$0x680];
	_ =	sdelay $0x4  }
0x19c: {  	v7 =	vperm.xlane v6, v0;
	_ =	sdelay $0x1  }
0x19d: {  	v6 =	vperm.xlane v6, v2;
	v7 =	vadd.s32 v1, v7;
	_ =	sdelay $0x1  }
0x19e: {  	v6 =	vadd.s32 v1, v6;
	_ =	sdelay $0x1  }
0x19f: {  	s21 =	simm.s32 $0xFC00  }
0x1a0: {  	[tilespmem:s21], [sflag:$0x4] =	stream.indirect_vreg.gather [hbm4b:s4+s20], $0x80, v7, vm0, $0xb8;
	[tilespmem:$0x1C880] =	vst v63  }
0x1a1: {  	s22 =	simm.s32 $0x11C00  }
0x1a2: {  	[tilespmem:s22], [sflag:$0x4] =	stream.indirect_vreg.gather [hbm4b:s4+s20], $0x80, v6, vm0, $0xb8;
	[tilespmem:$0x1C880] =	vst v63  }
0x1a3: {  	v6 =	vld [tilespmem:$0x690];
	_ =	sdelay $0x4  }
0x1a4: {  	v7 =	vperm.xlane v6, v0;
	_ =	sdelay $0x1  }
0x1a5: {  	v6 =	vperm.xlane v6, v2;
	v7 =	vadd.s32 v1, v7;
	_ =	sdelay $0x1  }
0x1a6: {  	v6 =	vadd.s32 v1, v6;
	_ =	sdelay $0x1  }
0x1a7: {  	s8 =	simm.s32 $0x13C00  }
0x1a8: {  	[tilespmem:s8], [sflag:$0x4] =	stream.indirect_vreg.gather [hbm4b:s4+s20], $0x80, v7, vm0, $0xb8;
	[tilespmem:$0x1C880] =	vst v63  }
0x1a9: {  	s21 =	simm.s32 $0x15C00  }
0x1aa: {  	[tilespmem:s21], [sflag:$0x4] =	stream.indirect_vreg.gather [hbm4b:s4+s20], $0x80, v6, vm0, $0xb8;
	[tilespmem:$0x1C880] =	vst v63  }
0x1ab: {  	v6 =	vld [tilespmem:$0x6A0];
	_ =	sdelay $0x4  }
0x1ac: {  	v7 =	vperm.xlane v6, v0;
	_ =	sdelay $0x1  }
0x1ad: {  	v6 =	vperm.xlane v6, v2;
	v7 =	vadd.s32 v1, v7;
	_ =	sdelay $0x1  }
0x1ae: {  	v6 =	vadd.s32 v1, v6;
	_ =	sdelay $0x1  }
0x1af: {  	s22 =	simm.s32 $0x17C00  }
0x1b0: {  	[tilespmem:s22], [sflag:$0x4] =	stream.indirect_vreg.gather [hbm4b:s4+s20], $0x80, v7, vm0, $0xb8;
	[tilespmem:$0x1C880] =	vst v63  }
0x1b1: {  	s8 =	simm.s32 $0x19C00  }
0x1b2: {  	[tilespmem:s8], [sflag:$0x4] =	stream.indirect_vreg.gather [hbm4b:s4+s20], $0x80, v6, vm0, $0xb8;
	[tilespmem:$0x1C880] =	vst v63  }
0x1b3: {  	v6 =	vld.msk [tilespmem:$0x6B0], $0x3;
	_ =	sdelay $0x4  }
0x1b4: {  	v6 =	vperm.xlane v6, v0;
	_ =	sdelay $0x1  }
0x1b5: {  	v6 =	vadd.s32 v1, v6;
	_ =	sdelay $0x3  }
0x1b6: {  	s21 =	simm.s32 $0x1BC00  }
0x1b7: {  	[tilespmem:s21], [sflag:$0x4] =	stream.indirect_vreg.gather [hbm4b:s4+s20], $0x80, v6, vm1, $0xb8;
	[tilespmem:$0x1C880] =	vst v63  }
0x1b8: {  	v6 =	vld [tilespmem:$0x700];
	_ =	sdelay $0x4  }
0x1b9: {  	v7 =	vperm.xlane v6, v0;
	_ =	sdelay $0x1  }
0x1ba: {  	v6 =	vperm.xlane v6, v2;
	v7 =	vadd.s32 v1, v7;
	_ =	sdelay $0x1  }
0x1bb: {  	v6 =	vadd.s32 v1, v6;
	_ =	sdelay $0x1  }
0x1bc: {  	s22 =	simm.s32 $0x10000  }
0x1bd: {  	[tilespmem:s22], [sflag:$0x4] =	stream.indirect_vreg.gather [hbm4b:s4+s20], $0x80, v7, vm0, $0xb8;
	[tilespmem:$0x1C880] =	vst v63  }
0x1be: {  	s8 =	simm.s32 $0x12000  }
0x1bf: {  	[tilespmem:s8], [sflag:$0x4] =	stream.indirect_vreg.gather [hbm4b:s4+s20], $0x80, v6, vm0, $0xb8;
	[tilespmem:$0x1C880] =	vst v63  }
0x1c0: {  	v6 =	vld [tilespmem:$0x710];
	_ =	sdelay $0x4  }
0x1c1: {  	v7 =	vperm.xlane v6, v0;
	_ =	sdelay $0x1  }
0x1c2: {  	v6 =	vperm.xlane v6, v2;
	v7 =	vadd.s32 v1, v7;
	_ =	sdelay $0x1  }
0x1c3: {  	v6 =	vadd.s32 v1, v6;
	_ =	sdelay $0x1  }
0x1c4: {  	s21 =	simm.s32 $0x14000  }
0x1c5: {  	[tilespmem:s21], [sflag:$0x4] =	stream.indirect_vreg.gather [hbm4b:s4+s20], $0x80, v7, vm0, $0xb8;
	[tilespmem:$0x1C880] =	vst v63  }
0x1c6: {  	s22 =	simm.s32 $0x16000  }
0x1c7: {  	[tilespmem:s22], [sflag:$0x4] =	stream.indirect_vreg.gather [hbm4b:s4+s20], $0x80, v6, vm0, $0xb8;
	[tilespmem:$0x1C880] =	vst v63  }
0x1c8: {  	v6 =	vld [tilespmem:$0x720];
	_ =	sdelay $0x4  }
0x1c9: {  	v7 =	vperm.xlane v6, v0;
	_ =	sdelay $0x1  }
0x1ca: {  	v6 =	vperm.xlane v6, v2;
	v7 =	vadd.s32 v1, v7;
	_ =	sdelay $0x1  }
0x1cb: {  	v6 =	vadd.s32 v1, v6;
	_ =	sdelay $0x1  }
0x1cc: {  	s8 =	simm.s32 $0x18000  }
0x1cd: {  	[tilespmem:s8], [sflag:$0x4] =	stream.indirect_vreg.gather [hbm4b:s4+s20], $0x80, v7, vm0, $0xb8;
	[tilespmem:$0x1C880] =	vst v63  }
0x1ce: {  	s21 =	simm.s32 $0x1A000  }
0x1cf: {  	[tilespmem:s21], [sflag:$0x4] =	stream.indirect_vreg.gather [hbm4b:s4+s20], $0x80, v6, vm0, $0xb8;
	[tilespmem:$0x1C880] =	vst v63  }
0x1d0: {  	v6 =	vld.msk [tilespmem:$0x730], $0x3;
	_ =	sdelay $0x4  }
0x1d1: {  	v6 =	vperm.xlane v6, v0;
	_ =	sdelay $0x1  }
0x1d2: {  	v6 =	vadd.s32 v1, v6;
	_ =	sdelay $0x4  }
0x1d3: {  	[tilespmem:s14], [sflag:$0x4] =	stream.indirect_vreg.gather [hbm4b:s4+s20], $0x80, v6, vm1, $0xb8;
	[tilespmem:$0x1C880] =	vst v63  }
0x1d4: {  	v6 =	vld [tilespmem:$0x780];
	_ =	sdelay $0x4  }
0x1d5: {  	v7 =	vperm.xlane v6, v0;
	_ =	sdelay $0x1  }
0x1d6: {  	v6 =	vperm.xlane v6, v2;
	v7 =	vadd.s32 v1, v7;
	_ =	sdelay $0x1  }
0x1d7: {  	v6 =	vadd.s32 v1, v6;
	_ =	sdelay $0x2  }
0x1d8: {  	[tilespmem:s23], [sflag:$0x4] =	stream.indirect_vreg.gather [hbm4b:s4+s20], $0x80, v7, vm0, $0xb8;
	[tilespmem:$0x1C880] =	vst v63  }
0x1d9: {  	_ = 	snop  }
0x1da: {  	[tilespmem:s12], [sflag:$0x4] =	stream.indirect_vreg.gather [hbm4b:s4+s20], $0x80, v6, vm0, $0xb8;
	[tilespmem:$0x1C880] =	vst v63  }
0x1db: {  	v6 =	vld [tilespmem:$0x790];
	_ =	sdelay $0x4  }
0x1dc: {  	v7 =	vperm.xlane v6, v0;
	_ =	sdelay $0x1  }
0x1dd: {  	v6 =	vperm.xlane v6, v2;
	v7 =	vadd.s32 v1, v7;
	_ =	sdelay $0x1  }
0x1de: {  	v6 =	vadd.s32 v1, v6;
	_ =	sdelay $0x2  }
0x1df: {  	[tilespmem:s24], [sflag:$0x4] =	stream.indirect_vreg.gather [hbm4b:s4+s20], $0x80, v7, vm0, $0xb8;
	[tilespmem:$0x1C880] =	vst v63  }
0x1e0: {  	_ = 	snop  }
0x1e1: {  	[tilespmem:s18], [sflag:$0x4] =	stream.indirect_vreg.gather [hbm4b:s4+s20], $0x80, v6, vm0, $0xb8;
	[tilespmem:$0x1C880] =	vst v63  }
0x1e2: {  	v6 =	vld [tilespmem:$0x7A0];
	_ =	sdelay $0x4  }
0x1e3: {  	v7 =	vperm.xlane v6, v0;
	_ =	sdelay $0x1  }
0x1e4: {  	v6 =	vperm.xlane v6, v2;
	v7 =	vadd.s32 v1, v7;
	_ =	sdelay $0x1  }
0x1e5: {  	v6 =	vadd.s32 v1, v6;
	_ =	sdelay $0x2  }
0x1e6: {  	[tilespmem:s25], [sflag:$0x4] =	stream.indirect_vreg.gather [hbm4b:s4+s20], $0x80, v7, vm0, $0xb8;
	[tilespmem:$0x1C880] =	vst v63  }
0x1e7: {  	_ = 	snop  }
0x1e8: {  	[tilespmem:s13], [sflag:$0x4] =	stream.indirect_vreg.gather [hbm4b:s4+s20], $0x80, v6, vm0, $0xb8;
	[tilespmem:$0x1C880] =	vst v63  }
0x1e9: {  	v6 =	vld.msk [tilespmem:$0x7B0], $0x3;
	_ =	sdelay $0x4  }
0x1ea: {  	v6 =	vperm.xlane v6, v0;
	_ =	sdelay $0x1  }
0x1eb: {  	v6 =	vadd.s32 v1, v6;
	_ =	sdelay $0x4  }
0x1ec: {  	[tilespmem:s26], [sflag:$0x4] =	stream.indirect_vreg.gather [hbm4b:s4+s20], $0x80, v6, vm1, $0xb8;
	[tilespmem:$0x1C880] =	vst v63  }
0x1ed: {  	_ =	swait.ge [sflag:s19], $0x1900  }
0x1ee: {  	[sflag:s19] =	ssyncset.done $0x0  }
0x1ef: {  	[sflag:s19] =	ssyncadd.s32 $0xFFFFE700  }
0x1f0: {  	_ =	swait.ge [sflag:s19], $0x1900  }
0x1f1: {  	[sflag:s19] =	ssyncset.done $0x0  }
0x1f2: {  	[sflag:s19] =	ssyncadd.s32 $0xFFFFE700  }
0x1f3: {  	_ =	swait.ge [sflag:s19], $0x1900  }
0x1f4: {  	[sflag:s19] =	ssyncset.done $0x0  }
0x1f5: {  	[sflag:s19] =	ssyncadd.s32 $0xFFFFE700  }
0x1f6: {  	_ =	swait.ge [sflag:s19], $0x1900  }
0x1f7: {  	[sflag:s19] =	ssyncset.done $0x0  }
0x1f8: {  	[sflag:s19] =	ssyncadd.s32 $0xFFFFE700  }
0x1f9: {  	_ =	swait.ge [sflag:s19], $0x1900  }
0x1fa: {  	[sflag:s19] =	ssyncset.done $0x0  }
0x1fb: {  	[sflag:s19] =	ssyncadd.s32 $0xFFFFE700  }
0x1fc: {  	_ =	swait.ge [sflag:s19], $0x1900  }
0x1fd: {  	[sflag:s19] =	ssyncset.done $0x0  }
0x1fe: {  	[sflag:s19] =	ssyncadd.s32 $0xFFFFE700  }
0x1ff: {  	_ =	swait.ge [sflag:s19], $0x1900  }
0x200: {  	s30 =	sshll.u32 s29, $0x1;
	[sflag:s19] =	ssyncset.done $0x0  }
0x201: {  	s22 =	sadd.s32 s6, s30;
	s21 =	sand.u32 $0x7, s20;
	[sflag:s19] =	ssyncadd.s32 $0xFFFFE700  }
0x202: {  	s7 =	smul.u32 $0x1C00, s22;
	s21 =	sshll.u32 s21, $0x7;
	_ =	swait.ge [sflag:s19], $0x1900  }
0x203: {  	s21 =	sadd.s32 $0x0, s21;
	[sflag:s19] =	ssyncset.done $0x0  }
0x204: {  	s7 =	sadd.s32 s5, s7;
	s31 =	sor.u32 $0x1C70, s21;
	[sflag:s19] =	ssyncadd.s32 $0xFFFFE700  }
0x205: {  	[hbm4b:s7+s20] =	stream.linear.scatter [tilespmem:s17], [sflag:$0x5], $0xE000, $0x38;
	[tilespmem:$0x1C880] =	vst v63  }
0x206: {  	s21 =	sor.u32 $0x1C60, s21;
	v6 =	vld.msk [tilespmem:s31+$0x800], $0xff  }
0x207: {  	s7 =	sadd.s32 $0x1C00, s7;
	s31 =	simm.s32 $0x80;
	v7 =	vld [tilespmem:s21+$0x800];
	s21 =	simm.s32 $0x1  }
.LBB2_3:
0x208: {  	s8 =	sand.u32 $0x7, s21;
	p0 =	sne.s32 s31, $0x1880;
	s31 =	sadd.s32 $0x80, s31  }
.Ltmp0:
0x209: {  	s20 =	sadd.s32 $0x400, s20;
	s8 =	sshll.u32 s8, $0x7;
	(pc) =	sbr.rel @p0 .LBB2_3-.Ltmp0, $4  }
0x20a: {  	s8 =	sadd.s32 s8, s20  }
0x20b: {  	s22 =	sor.u32 $0x1C60, s8;
	s8 =	sor.u32 $0x1C70, s8;
	v4 =	vadd.f32 v6, v4  }
0x20c: {  	v6 =	vld.msk [tilespmem:s8+$0x800], $0xff;
	v5 =	vadd.f32 v7, v5  }
0x20d: {  	s21 =	sadd.s32 $0x1, s21;
	v7 =	vld [tilespmem:s22+$0x800]  }
0x20e: {  	s8 =	smin.u32 s30, $0x1C  }
0x20f: {  	s20 =	sshll.u32 s8, $0xA  }
0x210: {  	s8 =	sadd.s32 s20, s10  }
0x211: {  	s8 =	sshrl.u32 s8, $0x3  }
0x212: {  	s30 =	simm.s32 $0x0;
	s8 =	sadd.s32 s2, s8  }
0x213: {  	[tilespmem:s30], [sflag:$0x1] =	stream.linear.gather [hbm4b:s8+s30], $0x400, $0x38;
	[tilespmem:$0x1C880] =	vst v63  }
0x214: {  	_ =	swait.ge [sflag:s16], $0x400  }
0x215: {  	[sflag:s16] =	ssyncset.done $0x0  }
0x216: {  	[sflag:s16] =	ssyncadd.s32 $0xFFFFFC00  }
0x217: {  	_ =	swait.ge [sflag:s28], $0xE000  }
0x218: {  	[sflag:s28] =	ssyncset.done $0x0  }
0x219: {  	[sflag:s28] =	ssyncadd.s32 $0xFFFF2000  }
0x21a: {  	v8 =	vld [tilespmem:$0x0];
	_ =	sdelay $0x4  }
0x21b: {  	v9 =	vperm.xlane v8, v0;
	_ =	sdelay $0x1  }
0x21c: {  	v8 =	vperm.xlane v8, v2;
	v9 =	vadd.s32 v1, v9;
	_ =	sdelay $0x1  }
0x21d: {  	v8 =	vadd.s32 v1, v8;
	_ =	sdelay $0x2  }
0x21e: {  	[tilespmem:s17], [sflag:$0x3] =	stream.indirect_vreg.gather [hbm4b:s4+s30], $0x80, v9, vm0, $0xb8;
	[tilespmem:$0x1C880] =	vst v63  }
0x21f: {  	s21 =	simm.s32 $0x2800  }
0x220: {  	[tilespmem:s21], [sflag:$0x3] =	stream.indirect_vreg.gather [hbm4b:s4+s30], $0x80, v8, vm0, $0xb8;
	[tilespmem:$0x1C880] =	vst v63  }
0x221: {  	v8 =	vld [tilespmem:$0x10];
	_ =	sdelay $0x4  }
0x222: {  	v9 =	vperm.xlane v8, v0;
	_ =	sdelay $0x1  }
0x223: {  	v8 =	vperm.xlane v8, v2;
	v9 =	vadd.s32 v1, v9;
	_ =	sdelay $0x1  }
0x224: {  	v8 =	vadd.s32 v1, v8;
	_ =	sdelay $0x1  }
0x225: {  	s22 =	simm.s32 $0x4800  }
0x226: {  	[tilespmem:s22], [sflag:$0x3] =	stream.indirect_vreg.gather [hbm4b:s4+s30], $0x80, v9, vm0, $0xb8;
	[tilespmem:$0x1C880] =	vst v63  }
0x227: {  	s31 =	simm.s32 $0x6800  }
0x228: {  	[tilespmem:s31], [sflag:$0x3] =	stream.indirect_vreg.gather [hbm4b:s4+s30], $0x80, v8, vm0, $0xb8;
	[tilespmem:$0x1C880] =	vst v63  }
0x229: {  	v8 =	vld [tilespmem:$0x20];
	_ =	sdelay $0x4  }
0x22a: {  	v9 =	vperm.xlane v8, v0;
	_ =	sdelay $0x1  }
0x22b: {  	v8 =	vperm.xlane v8, v2;
	v9 =	vadd.s32 v1, v9;
	_ =	sdelay $0x1  }
0x22c: {  	v8 =	vadd.s32 v1, v8;
	_ =	sdelay $0x1  }
0x22d: {  	s21 =	simm.s32 $0x8800  }
0x22e: {  	[tilespmem:s21], [sflag:$0x3] =	stream.indirect_vreg.gather [hbm4b:s4+s30], $0x80, v9, vm0, $0xb8;
	[tilespmem:$0x1C880] =	vst v63  }
0x22f: {  	s22 =	simm.s32 $0xA800  }
0x230: {  	[tilespmem:s22], [sflag:$0x3] =	stream.indirect_vreg.gather [hbm4b:s4+s30], $0x80, v8, vm0, $0xb8;
	[tilespmem:$0x1C880] =	vst v63  }
0x231: {  	v8 =	vld.msk [tilespmem:$0x30], $0x3;
	_ =	sdelay $0x4  }
0x232: {  	v8 =	vperm.xlane v8, v0;
	_ =	sdelay $0x1  }
0x233: {  	v8 =	vadd.s32 v1, v8;
	_ =	sdelay $0x3  }
0x234: {  	s31 =	simm.s32 $0xC800  }
0x235: {  	[tilespmem:s31], [sflag:$0x3] =	stream.indirect_vreg.gather [hbm4b:s4+s30], $0x80, v8, vm1, $0xb8;
	[tilespmem:$0x1C880] =	vst v63  }
0x236: {  	v8 =	vld [tilespmem:$0x80];
	_ =	sdelay $0x4  }
0x237: {  	v9 =	vperm.xlane v8, v0;
	_ =	sdelay $0x1  }
0x238: {  	v8 =	vperm.xlane v8, v2;
	v9 =	vadd.s32 v1, v9;
	_ =	sdelay $0x1  }
0x239: {  	v8 =	vadd.s32 v1, v8;
	_ =	sdelay $0x1  }
0x23a: {  	s21 =	simm.s32 $0xC00  }
0x23b: {  	[tilespmem:s21], [sflag:$0x3] =	stream.indirect_vreg.gather [hbm4b:s4+s30], $0x80, v9, vm0, $0xb8;
	[tilespmem:$0x1C880] =	vst v63  }
0x23c: {  	s22 =	simm.s32 $0x2C00  }
0x23d: {  	[tilespmem:s22], [sflag:$0x3] =	stream.indirect_vreg.gather [hbm4b:s4+s30], $0x80, v8, vm0, $0xb8;
	[tilespmem:$0x1C880] =	vst v63  }
0x23e: {  	v8 =	vld [tilespmem:$0x90];
	_ =	sdelay $0x4  }
0x23f: {  	v9 =	vperm.xlane v8, v0;
	_ =	sdelay $0x1  }
0x240: {  	v8 =	vperm.xlane v8, v2;
	v9 =	vadd.s32 v1, v9;
	_ =	sdelay $0x1  }
0x241: {  	v8 =	vadd.s32 v1, v8;
	_ =	sdelay $0x1  }
0x242: {  	s31 =	simm.s32 $0x4C00  }
0x243: {  	[tilespmem:s31], [sflag:$0x3] =	stream.indirect_vreg.gather [hbm4b:s4+s30], $0x80, v9, vm0, $0xb8;
	[tilespmem:$0x1C880] =	vst v63  }
0x244: {  	s21 =	simm.s32 $0x6C00  }
0x245: {  	[tilespmem:s21], [sflag:$0x3] =	stream.indirect_vreg.gather [hbm4b:s4+s30], $0x80, v8, vm0, $0xb8;
	[tilespmem:$0x1C880] =	vst v63  }
0x246: {  	v8 =	vld [tilespmem:$0xA0];
	_ =	sdelay $0x4  }
0x247: {  	v9 =	vperm.xlane v8, v0;
	_ =	sdelay $0x1  }
0x248: {  	v8 =	vperm.xlane v8, v2;
	v9 =	vadd.s32 v1, v9;
	_ =	sdelay $0x1  }
0x249: {  	v8 =	vadd.s32 v1, v8;
	_ =	sdelay $0x1  }
0x24a: {  	s22 =	simm.s32 $0x8C00  }
0x24b: {  	[tilespmem:s22], [sflag:$0x3] =	stream.indirect_vreg.gather [hbm4b:s4+s30], $0x80, v9, vm0, $0xb8;
	[tilespmem:$0x1C880] =	vst v63  }
0x24c: {  	s31 =	simm.s32 $0xAC00  }
0x24d: {  	[tilespmem:s31], [sflag:$0x3] =	stream.indirect_vreg.gather [hbm4b:s4+s30], $0x80, v8, vm0, $0xb8;
	[tilespmem:$0x1C880] =	vst v63  }
0x24e: {  	v8 =	vld.msk [tilespmem:$0xB0], $0x3;
	_ =	sdelay $0x4  }
0x24f: {  	v8 =	vperm.xlane v8, v0;
	_ =	sdelay $0x1  }
0x250: {  	v8 =	vadd.s32 v1, v8;
	_ =	sdelay $0x3  }
0x251: {  	s21 =	simm.s32 $0xCC00  }
0x252: {  	[tilespmem:s21], [sflag:$0x3] =	stream.indirect_vreg.gather [hbm4b:s4+s30], $0x80, v8, vm1, $0xb8;
	[tilespmem:$0x1C880] =	vst v63  }
0x253: {  	v8 =	vld [tilespmem:$0x100];
	_ =	sdelay $0x4  }
0x254: {  	v9 =	vperm.xlane v8, v0;
	_ =	sdelay $0x1  }
0x255: {  	v8 =	vperm.xlane v8, v2;
	v9 =	vadd.s32 v1, v9;
	_ =	sdelay $0x1  }
0x256: {  	v8 =	vadd.s32 v1, v8;
	_ =	sdelay $0x1  }
0x257: {  	s22 =	simm.s32 $0x1000  }
0x258: {  	[tilespmem:s22], [sflag:$0x3] =	stream.indirect_vreg.gather [hbm4b:s4+s30], $0x80, v9, vm0, $0xb8;
	[tilespmem:$0x1C880] =	vst v63  }
0x259: {  	s31 =	simm.s32 $0x3000  }
0x25a: {  	[tilespmem:s31], [sflag:$0x3] =	stream.indirect_vreg.gather [hbm4b:s4+s30], $0x80, v8, vm0, $0xb8;
	[tilespmem:$0x1C880] =	vst v63  }
0x25b: {  	v8 =	vld [tilespmem:$0x110];
	_ =	sdelay $0x4  }
0x25c: {  	v9 =	vperm.xlane v8, v0;
	_ =	sdelay $0x1  }
0x25d: {  	v8 =	vperm.xlane v8, v2;
	v9 =	vadd.s32 v1, v9;
	_ =	sdelay $0x1  }
0x25e: {  	v8 =	vadd.s32 v1, v8;
	_ =	sdelay $0x1  }
0x25f: {  	s21 =	simm.s32 $0x5000  }
0x260: {  	[tilespmem:s21], [sflag:$0x3] =	stream.indirect_vreg.gather [hbm4b:s4+s30], $0x80, v9, vm0, $0xb8;
	[tilespmem:$0x1C880] =	vst v63  }
0x261: {  	s22 =	simm.s32 $0x7000  }
0x262: {  	[tilespmem:s22], [sflag:$0x3] =	stream.indirect_vreg.gather [hbm4b:s4+s30], $0x80, v8, vm0, $0xb8;
	[tilespmem:$0x1C880] =	vst v63  }
0x263: {  	v8 =	vld [tilespmem:$0x120];
	_ =	sdelay $0x4  }
0x264: {  	v9 =	vperm.xlane v8, v0;
	_ =	sdelay $0x1  }
0x265: {  	v8 =	vperm.xlane v8, v2;
	v9 =	vadd.s32 v1, v9;
	_ =	sdelay $0x1  }
0x266: {  	v8 =	vadd.s32 v1, v8;
	_ =	sdelay $0x1  }
0x267: {  	s31 =	simm.s32 $0x9000  }
0x268: {  	[tilespmem:s31], [sflag:$0x3] =	stream.indirect_vreg.gather [hbm4b:s4+s30], $0x80, v9, vm0, $0xb8;
	[tilespmem:$0x1C880] =	vst v63  }
0x269: {  	s21 =	simm.s32 $0xB000  }
0x26a: {  	[tilespmem:s21], [sflag:$0x3] =	stream.indirect_vreg.gather [hbm4b:s4+s30], $0x80, v8, vm0, $0xb8;
	[tilespmem:$0x1C880] =	vst v63  }
0x26b: {  	v8 =	vld.msk [tilespmem:$0x130], $0x3;
	_ =	sdelay $0x4  }
0x26c: {  	v8 =	vperm.xlane v8, v0;
	_ =	sdelay $0x1  }
0x26d: {  	v8 =	vadd.s32 v1, v8;
	_ =	sdelay $0x3  }
0x26e: {  	s22 =	simm.s32 $0xD000  }
0x26f: {  	[tilespmem:s22], [sflag:$0x3] =	stream.indirect_vreg.gather [hbm4b:s4+s30], $0x80, v8, vm1, $0xb8;
	[tilespmem:$0x1C880] =	vst v63  }
0x270: {  	v8 =	vld [tilespmem:$0x180];
	_ =	sdelay $0x4  }
0x271: {  	v9 =	vperm.xlane v8, v0;
	_ =	sdelay $0x1  }
0x272: {  	v8 =	vperm.xlane v8, v2;
	v9 =	vadd.s32 v1, v9;
	_ =	sdelay $0x1  }
0x273: {  	v8 =	vadd.s32 v1, v8;
	_ =	sdelay $0x1  }
0x274: {  	s31 =	simm.s32 $0x1400  }
0x275: {  	[tilespmem:s31], [sflag:$0x3] =	stream.indirect_vreg.gather [hbm4b:s4+s30], $0x80, v9, vm0, $0xb8;
	[tilespmem:$0x1C880] =	vst v63  }
0x276: {  	s21 =	simm.s32 $0x3400  }
0x277: {  	[tilespmem:s21], [sflag:$0x3] =	stream.indirect_vreg.gather [hbm4b:s4+s30], $0x80, v8, vm0, $0xb8;
	[tilespmem:$0x1C880] =	vst v63  }
0x278: {  	v8 =	vld [tilespmem:$0x190];
	_ =	sdelay $0x4  }
0x279: {  	v9 =	vperm.xlane v8, v0;
	_ =	sdelay $0x1  }
0x27a: {  	v8 =	vperm.xlane v8, v2;
	v9 =	vadd.s32 v1, v9;
	_ =	sdelay $0x1  }
0x27b: {  	v8 =	vadd.s32 v1, v8;
	_ =	sdelay $0x1  }
0x27c: {  	s22 =	simm.s32 $0x5400  }
0x27d: {  	[tilespmem:s22], [sflag:$0x3] =	stream.indirect_vreg.gather [hbm4b:s4+s30], $0x80, v9, vm0, $0xb8;
	[tilespmem:$0x1C880] =	vst v63  }
0x27e: {  	s31 =	simm.s32 $0x7400  }
0x27f: {  	[tilespmem:s31], [sflag:$0x3] =	stream.indirect_vreg.gather [hbm4b:s4+s30], $0x80, v8, vm0, $0xb8;
	[tilespmem:$0x1C880] =	vst v63  }
0x280: {  	v8 =	vld [tilespmem:$0x1A0];
	_ =	sdelay $0x4  }
0x281: {  	v9 =	vperm.xlane v8, v0;
	_ =	sdelay $0x1  }
0x282: {  	v8 =	vperm.xlane v8, v2;
	v9 =	vadd.s32 v1, v9;
	_ =	sdelay $0x1  }
0x283: {  	v8 =	vadd.s32 v1, v8;
	_ =	sdelay $0x1  }
0x284: {  	s21 =	simm.s32 $0x9400  }
0x285: {  	[tilespmem:s21], [sflag:$0x3] =	stream.indirect_vreg.gather [hbm4b:s4+s30], $0x80, v9, vm0, $0xb8;
	[tilespmem:$0x1C880] =	vst v63  }
0x286: {  	s22 =	simm.s32 $0xB400  }
0x287: {  	[tilespmem:s22], [sflag:$0x3] =	stream.indirect_vreg.gather [hbm4b:s4+s30], $0x80, v8, vm0, $0xb8;
	[tilespmem:$0x1C880] =	vst v63  }
0x288: {  	v8 =	vld.msk [tilespmem:$0x1B0], $0x3;
	_ =	sdelay $0x4  }
0x289: {  	v8 =	vperm.xlane v8, v0;
	_ =	sdelay $0x1  }
0x28a: {  	v8 =	vadd.s32 v1, v8;
	_ =	sdelay $0x3  }
0x28b: {  	s31 =	simm.s32 $0xD400  }
0x28c: {  	[tilespmem:s31], [sflag:$0x3] =	stream.indirect_vreg.gather [hbm4b:s4+s30], $0x80, v8, vm1, $0xb8;
	[tilespmem:$0x1C880] =	vst v63  }
0x28d: {  	v8 =	vld [tilespmem:$0x200];
	_ =	sdelay $0x4  }
0x28e: {  	v9 =	vperm.xlane v8, v0;
	_ =	sdelay $0x1  }
0x28f: {  	v8 =	vperm.xlane v8, v2;
	v9 =	vadd.s32 v1, v9;
	_ =	sdelay $0x1  }
0x290: {  	v8 =	vadd.s32 v1, v8;
	_ =	sdelay $0x1  }
0x291: {  	s21 =	simm.s32 $0x1800  }
0x292: {  	[tilespmem:s21], [sflag:$0x3] =	stream.indirect_vreg.gather [hbm4b:s4+s30], $0x80, v9, vm0, $0xb8;
	[tilespmem:$0x1C880] =	vst v63  }
0x293: {  	s22 =	simm.s32 $0x3800  }
0x294: {  	[tilespmem:s22], [sflag:$0x3] =	stream.indirect_vreg.gather [hbm4b:s4+s30], $0x80, v8, vm0, $0xb8;
	[tilespmem:$0x1C880] =	vst v63  }
0x295: {  	v8 =	vld [tilespmem:$0x210];
	_ =	sdelay $0x4  }
0x296: {  	v9 =	vperm.xlane v8, v0;
	_ =	sdelay $0x1  }
0x297: {  	v8 =	vperm.xlane v8, v2;
	v9 =	vadd.s32 v1, v9;
	_ =	sdelay $0x1  }
0x298: {  	v8 =	vadd.s32 v1, v8;
	_ =	sdelay $0x1  }
0x299: {  	s31 =	simm.s32 $0x5800  }
0x29a: {  	[tilespmem:s31], [sflag:$0x3] =	stream.indirect_vreg.gather [hbm4b:s4+s30], $0x80, v9, vm0, $0xb8;
	[tilespmem:$0x1C880] =	vst v63  }
0x29b: {  	s21 =	simm.s32 $0x7800  }
0x29c: {  	[tilespmem:s21], [sflag:$0x3] =	stream.indirect_vreg.gather [hbm4b:s4+s30], $0x80, v8, vm0, $0xb8;
	[tilespmem:$0x1C880] =	vst v63  }
0x29d: {  	v8 =	vld [tilespmem:$0x220];
	_ =	sdelay $0x4  }
0x29e: {  	v9 =	vperm.xlane v8, v0;
	_ =	sdelay $0x1  }
0x29f: {  	v8 =	vperm.xlane v8, v2;
	v9 =	vadd.s32 v1, v9;
	_ =	sdelay $0x1  }
0x2a0: {  	v8 =	vadd.s32 v1, v8;
	_ =	sdelay $0x1  }
0x2a1: {  	s22 =	simm.s32 $0x9800  }
0x2a2: {  	[tilespmem:s22], [sflag:$0x3] =	stream.indirect_vreg.gather [hbm4b:s4+s30], $0x80, v9, vm0, $0xb8;
	[tilespmem:$0x1C880] =	vst v63  }
0x2a3: {  	s31 =	simm.s32 $0xB800  }
0x2a4: {  	[tilespmem:s31], [sflag:$0x3] =	stream.indirect_vreg.gather [hbm4b:s4+s30], $0x80, v8, vm0, $0xb8;
	[tilespmem:$0x1C880] =	vst v63  }
0x2a5: {  	v8 =	vld.msk [tilespmem:$0x230], $0x3;
	_ =	sdelay $0x4  }
0x2a6: {  	v8 =	vperm.xlane v8, v0;
	_ =	sdelay $0x1  }
0x2a7: {  	v8 =	vadd.s32 v1, v8;
	_ =	sdelay $0x3  }
0x2a8: {  	s21 =	simm.s32 $0xD800  }
0x2a9: {  	[tilespmem:s21], [sflag:$0x3] =	stream.indirect_vreg.gather [hbm4b:s4+s30], $0x80, v8, vm1, $0xb8;
	[tilespmem:$0x1C880] =	vst v63  }
0x2aa: {  	v8 =	vld [tilespmem:$0x280];
	_ =	sdelay $0x4  }
0x2ab: {  	v9 =	vperm.xlane v8, v0;
	_ =	sdelay $0x1  }
0x2ac: {  	v8 =	vperm.xlane v8, v2;
	v9 =	vadd.s32 v1, v9;
	_ =	sdelay $0x1  }
0x2ad: {  	v8 =	vadd.s32 v1, v8;
	_ =	sdelay $0x1  }
0x2ae: {  	s22 =	simm.s32 $0x1C00  }
0x2af: {  	[tilespmem:s22], [sflag:$0x3] =	stream.indirect_vreg.gather [hbm4b:s4+s30], $0x80, v9, vm0, $0xb8;
	[tilespmem:$0x1C880] =	vst v63  }
0x2b0: {  	s31 =	simm.s32 $0x3C00  }
0x2b1: {  	[tilespmem:s31], [sflag:$0x3] =	stream.indirect_vreg.gather [hbm4b:s4+s30], $0x80, v8, vm0, $0xb8;
	[tilespmem:$0x1C880] =	vst v63  }
0x2b2: {  	v8 =	vld [tilespmem:$0x290];
	_ =	sdelay $0x4  }
0x2b3: {  	v9 =	vperm.xlane v8, v0;
	_ =	sdelay $0x1  }
0x2b4: {  	v8 =	vperm.xlane v8, v2;
	v9 =	vadd.s32 v1, v9;
	_ =	sdelay $0x1  }
0x2b5: {  	v8 =	vadd.s32 v1, v8;
	_ =	sdelay $0x1  }
0x2b6: {  	s21 =	simm.s32 $0x5C00  }
0x2b7: {  	[tilespmem:s21], [sflag:$0x3] =	stream.indirect_vreg.gather [hbm4b:s4+s30], $0x80, v9, vm0, $0xb8;
	[tilespmem:$0x1C880] =	vst v63  }
0x2b8: {  	s22 =	simm.s32 $0x7C00  }
0x2b9: {  	[tilespmem:s22], [sflag:$0x3] =	stream.indirect_vreg.gather [hbm4b:s4+s30], $0x80, v8, vm0, $0xb8;
	[tilespmem:$0x1C880] =	vst v63  }
0x2ba: {  	v8 =	vld [tilespmem:$0x2A0];
	_ =	sdelay $0x4  }
0x2bb: {  	v9 =	vperm.xlane v8, v0;
	_ =	sdelay $0x1  }
0x2bc: {  	v8 =	vperm.xlane v8, v2;
	v9 =	vadd.s32 v1, v9;
	_ =	sdelay $0x1  }
0x2bd: {  	v8 =	vadd.s32 v1, v8;
	_ =	sdelay $0x1  }
0x2be: {  	s31 =	simm.s32 $0x9C00  }
0x2bf: {  	[tilespmem:s31], [sflag:$0x3] =	stream.indirect_vreg.gather [hbm4b:s4+s30], $0x80, v9, vm0, $0xb8;
	[tilespmem:$0x1C880] =	vst v63  }
0x2c0: {  	s21 =	simm.s32 $0xBC00  }
0x2c1: {  	[tilespmem:s21], [sflag:$0x3] =	stream.indirect_vreg.gather [hbm4b:s4+s30], $0x80, v8, vm0, $0xb8;
	[tilespmem:$0x1C880] =	vst v63  }
0x2c2: {  	v8 =	vld.msk [tilespmem:$0x2B0], $0x3;
	_ =	sdelay $0x4  }
0x2c3: {  	v8 =	vperm.xlane v8, v0;
	_ =	sdelay $0x1  }
0x2c4: {  	v8 =	vadd.s32 v1, v8;
	_ =	sdelay $0x3  }
0x2c5: {  	s22 =	simm.s32 $0xDC00  }
0x2c6: {  	[tilespmem:s22], [sflag:$0x3] =	stream.indirect_vreg.gather [hbm4b:s4+s30], $0x80, v8, vm1, $0xb8;
	[tilespmem:$0x1C880] =	vst v63  }
0x2c7: {  	v8 =	vld [tilespmem:$0x300];
	_ =	sdelay $0x4  }
0x2c8: {  	v9 =	vperm.xlane v8, v0;
	_ =	sdelay $0x1  }
0x2c9: {  	v8 =	vperm.xlane v8, v2;
	v9 =	vadd.s32 v1, v9;
	_ =	sdelay $0x1  }
0x2ca: {  	v8 =	vadd.s32 v1, v8;
	_ =	sdelay $0x1  }
0x2cb: {  	s31 =	simm.s32 $0x2000  }
0x2cc: {  	[tilespmem:s31], [sflag:$0x3] =	stream.indirect_vreg.gather [hbm4b:s4+s30], $0x80, v9, vm0, $0xb8;
	[tilespmem:$0x1C880] =	vst v63  }
0x2cd: {  	s21 =	simm.s32 $0x4000  }
0x2ce: {  	[tilespmem:s21], [sflag:$0x3] =	stream.indirect_vreg.gather [hbm4b:s4+s30], $0x80, v8, vm0, $0xb8;
	[tilespmem:$0x1C880] =	vst v63  }
0x2cf: {  	v8 =	vld [tilespmem:$0x310];
	_ =	sdelay $0x4  }
0x2d0: {  	v9 =	vperm.xlane v8, v0;
	_ =	sdelay $0x1  }
0x2d1: {  	v8 =	vperm.xlane v8, v2;
	v9 =	vadd.s32 v1, v9;
	_ =	sdelay $0x1  }
0x2d2: {  	v8 =	vadd.s32 v1, v8;
	_ =	sdelay $0x1  }
0x2d3: {  	s22 =	simm.s32 $0x6000  }
0x2d4: {  	[tilespmem:s22], [sflag:$0x3] =	stream.indirect_vreg.gather [hbm4b:s4+s30], $0x80, v9, vm0, $0xb8;
	[tilespmem:$0x1C880] =	vst v63  }
0x2d5: {  	s31 =	simm.s32 $0x8000  }
0x2d6: {  	[tilespmem:s31], [sflag:$0x3] =	stream.indirect_vreg.gather [hbm4b:s4+s30], $0x80, v8, vm0, $0xb8;
	[tilespmem:$0x1C880] =	vst v63  }
0x2d7: {  	v8 =	vld [tilespmem:$0x320];
	_ =	sdelay $0x4  }
0x2d8: {  	v9 =	vperm.xlane v8, v0;
	_ =	sdelay $0x1  }
0x2d9: {  	v8 =	vperm.xlane v8, v2;
	v9 =	vadd.s32 v1, v9;
	_ =	sdelay $0x1  }
0x2da: {  	v8 =	vadd.s32 v1, v8;
	_ =	sdelay $0x1  }
0x2db: {  	s21 =	simm.s32 $0xA000  }
0x2dc: {  	[tilespmem:s21], [sflag:$0x3] =	stream.indirect_vreg.gather [hbm4b:s4+s30], $0x80, v9, vm0, $0xb8;
	[tilespmem:$0x1C880] =	vst v63  }
0x2dd: {  	s22 =	simm.s32 $0xC000  }
0x2de: {  	[tilespmem:s22], [sflag:$0x3] =	stream.indirect_vreg.gather [hbm4b:s4+s30], $0x80, v8, vm0, $0xb8;
	[tilespmem:$0x1C880] =	vst v63  }
0x2df: {  	v8 =	vld.msk [tilespmem:$0x330], $0x3;
	_ =	sdelay $0x4  }
0x2e0: {  	v8 =	vperm.xlane v8, v0;
	_ =	sdelay $0x1  }
0x2e1: {  	v8 =	vadd.s32 v1, v8;
	_ =	sdelay $0x3  }
0x2e2: {  	s31 =	simm.s32 $0xE000  }
0x2e3: {  	[tilespmem:s31], [sflag:$0x3] =	stream.indirect_vreg.gather [hbm4b:s4+s30], $0x80, v8, vm1, $0xb8;
	[tilespmem:$0x1C880] =	vst v63  }
0x2e4: {  	v8 =	vld [tilespmem:$0x380];
	_ =	sdelay $0x4  }
0x2e5: {  	v9 =	vperm.xlane v8, v0;
	_ =	sdelay $0x1  }
0x2e6: {  	v8 =	vperm.xlane v8, v2;
	v9 =	vadd.s32 v1, v9;
	_ =	sdelay $0x1  }
0x2e7: {  	v8 =	vadd.s32 v1, v8;
	_ =	sdelay $0x1  }
0x2e8: {  	s21 =	simm.s32 $0x2400  }
0x2e9: {  	[tilespmem:s21], [sflag:$0x3] =	stream.indirect_vreg.gather [hbm4b:s4+s30], $0x80, v9, vm0, $0xb8;
	[tilespmem:$0x1C880] =	vst v63  }
0x2ea: {  	s22 =	simm.s32 $0x4400  }
0x2eb: {  	[tilespmem:s22], [sflag:$0x3] =	stream.indirect_vreg.gather [hbm4b:s4+s30], $0x80, v8, vm0, $0xb8;
	[tilespmem:$0x1C880] =	vst v63  }
0x2ec: {  	v8 =	vld [tilespmem:$0x390];
	_ =	sdelay $0x4  }
0x2ed: {  	v9 =	vperm.xlane v8, v0;
	_ =	sdelay $0x1  }
0x2ee: {  	v8 =	vperm.xlane v8, v2;
	v9 =	vadd.s32 v1, v9;
	_ =	sdelay $0x1  }
0x2ef: {  	v8 =	vadd.s32 v1, v8;
	_ =	sdelay $0x1  }
0x2f0: {  	s31 =	simm.s32 $0x6400  }
0x2f1: {  	[tilespmem:s31], [sflag:$0x3] =	stream.indirect_vreg.gather [hbm4b:s4+s30], $0x80, v9, vm0, $0xb8;
	[tilespmem:$0x1C880] =	vst v63  }
0x2f2: {  	s21 =	simm.s32 $0x8400  }
0x2f3: {  	[tilespmem:s21], [sflag:$0x3] =	stream.indirect_vreg.gather [hbm4b:s4+s30], $0x80, v8, vm0, $0xb8;
	[tilespmem:$0x1C880] =	vst v63  }
0x2f4: {  	v8 =	vld [tilespmem:$0x3A0];
	_ =	sdelay $0x4  }
0x2f5: {  	v9 =	vperm.xlane v8, v0;
	_ =	sdelay $0x1  }
0x2f6: {  	v8 =	vperm.xlane v8, v2;
	v9 =	vadd.s32 v1, v9;
	_ =	sdelay $0x1  }
0x2f7: {  	v8 =	vadd.s32 v1, v8;
	_ =	sdelay $0x1  }
0x2f8: {  	s22 =	simm.s32 $0xA400  }
0x2f9: {  	[tilespmem:s22], [sflag:$0x3] =	stream.indirect_vreg.gather [hbm4b:s4+s30], $0x80, v9, vm0, $0xb8;
	[tilespmem:$0x1C880] =	vst v63  }
0x2fa: {  	s31 =	simm.s32 $0xC400  }
0x2fb: {  	[tilespmem:s31], [sflag:$0x3] =	stream.indirect_vreg.gather [hbm4b:s4+s30], $0x80, v8, vm0, $0xb8;
	[tilespmem:$0x1C880] =	vst v63  }
0x2fc: {  	v8 =	vld.msk [tilespmem:$0x3B0], $0x3;
	_ =	sdelay $0x4  }
0x2fd: {  	v8 =	vperm.xlane v8, v0;
	_ =	sdelay $0x1  }
0x2fe: {  	v8 =	vadd.s32 v1, v8;
	_ =	sdelay $0x3  }
0x2ff: {  	s21 =	simm.s32 $0xE400  }
0x300: {  	[tilespmem:s21], [sflag:$0x3] =	stream.indirect_vreg.gather [hbm4b:s4+s30], $0x80, v8, vm1, $0xb8;
	[tilespmem:$0x1C880] =	vst v63  }
0x301: {  	_ =	swait.ge [sflag:s9], $0x1900  }
0x302: {  	[sflag:s9] =	ssyncset.done $0x0  }
0x303: {  	[sflag:s9] =	ssyncadd.s32 $0xFFFFE700  }
0x304: {  	_ =	swait.ge [sflag:s9], $0x1900  }
0x305: {  	[sflag:s9] =	ssyncset.done $0x0  }
0x306: {  	[sflag:s9] =	ssyncadd.s32 $0xFFFFE700  }
0x307: {  	_ =	swait.ge [sflag:s9], $0x1900  }
0x308: {  	[sflag:s9] =	ssyncset.done $0x0  }
0x309: {  	[sflag:s9] =	ssyncadd.s32 $0xFFFFE700  }
0x30a: {  	_ =	swait.ge [sflag:s9], $0x1900  }
0x30b: {  	[sflag:s9] =	ssyncset.done $0x0  }
0x30c: {  	[sflag:s9] =	ssyncadd.s32 $0xFFFFE700  }
0x30d: {  	_ =	swait.ge [sflag:s9], $0x1900  }
0x30e: {  	[sflag:s9] =	ssyncset.done $0x0  }
0x30f: {  	[sflag:s9] =	ssyncadd.s32 $0xFFFFE700  }
0x310: {  	_ =	swait.ge [sflag:s9], $0x1900  }
0x311: {  	[sflag:s9] =	ssyncset.done $0x0  }
0x312: {  	[sflag:s9] =	ssyncadd.s32 $0xFFFFE700  }
0x313: {  	_ =	swait.ge [sflag:s9], $0x1900  }
0x314: {  	[sflag:s9] =	ssyncset.done $0x0  }
0x315: {  	[sflag:s9] =	ssyncadd.s32 $0xFFFFE700  }
0x316: {  	_ =	swait.ge [sflag:s9], $0x1900  }
0x317: {  	[sflag:s9] =	ssyncset.done $0x0  }
0x318: {  	s22 =	sand.u32 $0x7, s30;
	[sflag:s9] =	ssyncadd.s32 $0xFFFFE700  }
0x319: {  	[hbm4b:s7+s30] =	stream.linear.scatter [tilespmem:s15], [sflag:$0x6], $0xE000, $0x38;
	[tilespmem:$0x1C880] =	vst v63  }
0x31a: {  	s7 =	sshll.u32 s22, $0x7  }
0x31b: {  	s7 =	sadd.s32 $0x0, s7  }
0x31c: {  	s31 =	sor.u32 $0x1C70, s7  }
0x31d: {  	s21 =	sor.u32 $0x1C60, s7;
	v8 =	vld.msk [tilespmem:s31+$0xE800], $0xff  }
0x31e: {  	v4 =	vadd.f32 v6, v4;
	v5 =	vadd.f32 v7, v5;
	s7 =	simm.s32 $0x80;
	v6 =	vld [tilespmem:s21+$0xE800];
	s21 =	simm.s32 $0x1  }
.LBB2_5:
0x31f: {  	s8 =	sand.u32 $0x7, s21;
	p0 =	sne.s32 s7, $0x1880;
	s7 =	sadd.s32 $0x80, s7  }
.Ltmp1:
0x320: {  	s30 =	sadd.s32 $0x400, s30;
	s8 =	sshll.u32 s8, $0x7;
	(pc) =	sbr.rel @p0 .LBB2_5-.Ltmp1, $4  }
0x321: {  	s8 =	sadd.s32 s8, s30  }
0x322: {  	s22 =	sor.u32 $0x1C60, s8;
	s8 =	sor.u32 $0x1C70, s8;
	v4 =	vadd.f32 v8, v4  }
0x323: {  	v8 =	vld.msk [tilespmem:s8+$0xE800], $0xff;
	v5 =	vadd.f32 v6, v5  }
0x324: {  	s21 =	sadd.s32 $0x1, s21;
	v6 =	vld [tilespmem:s22+$0xE800]  }
0x325: {  	s29 =	sadd.s32 $0x1, s29  }
0x326: {  	p0 =	sne.s32 s29, $0x10  }
.Ltmp2:
0x327: {  	_ = 	snop;
	(pc) =	sbr.rel @p0 .LBB2_2-.Ltmp2, $4  }
0x328: {  	s7 =	sadd.s32 s20, s11  }
0x329: {  	s7 =	sshrl.u32 s7, $0x3  }
0x32a: {  	s8 =	simm.s32 $0x400;
	s7 =	sadd.s32 s2, s7  }
0x32b: {  	[tilespmem:s8], [sflag:$0x2] =	stream.linear.gather [hbm4b:s7+s3], $0x400, $0x38;
	v4 =	vadd.f32 v8, v4;
	v5 =	vadd.f32 v6, v5;
	[tilespmem:$0x1C880] =	vst v63  }
0x32c: {  	_ = 	snop  }
0x32d: {  	v5 =	vperm.xlane v5, v3;
	v4 =	vperm.xlane v4, v3;
	_ =	sdelay $0x1  }
0x32e: {  	v4 =	vsel vm0, v5, v4  }
0x32f: {  	s7 =	rddreg [dreg:$0x6];
	s8 =	simm.s32 $0x1C800;
	s29 =	simm.s32 $0x7;
	[tilespmem:$0x1C800] =	vst v4  }
0x330: {  	[hbm4b:s7+s3] =	stream.linear.scatter [tilespmem:s8], [sflag:$0x7], $0x80, $0x38;
	[tilespmem:$0x1C880] =	vst v63  }
0x331: {  	_ =	swait.ge [sflag:s29], $0x80  }
0x332: {  	[sflag:s29] =	ssyncset.done $0x0  }
0x333: {  	[sflag:s29] =	ssyncadd.s32 $0xFFFFFF80  }
0x334: {  	_ =	swait.ge [sflag:s19], $0x1900  }
0x335: {  	[sflag:s19] =	ssyncset.done $0x0  }
0x336: {  	[sflag:s19] =	ssyncadd.s32 $0xFFFFE700  }
0x337: {  	_ =	swait.ge [sflag:s19], $0x1900  }
0x338: {  	[sflag:s19] =	ssyncset.done $0x0  }
0x339: {  	[sflag:s19] =	ssyncadd.s32 $0xFFFFE700  }
0x33a: {  	_ =	swait.ge [sflag:s19], $0x1900  }
0x33b: {  	[sflag:s19] =	ssyncset.done $0x0  }
0x33c: {  	[sflag:s19] =	ssyncadd.s32 $0xFFFFE700  }
0x33d: {  	_ =	swait.ge [sflag:s19], $0x1900  }
0x33e: {  	[sflag:s19] =	ssyncset.done $0x0  }
0x33f: {  	[sflag:s19] =	ssyncadd.s32 $0xFFFFE700  }
0x340: {  	_ =	swait.ge [sflag:s19], $0x1900  }
0x341: {  	[sflag:s19] =	ssyncset.done $0x0  }
0x342: {  	[sflag:s19] =	ssyncadd.s32 $0xFFFFE700  }
0x343: {  	_ =	swait.ge [sflag:s19], $0x1900  }
0x344: {  	[sflag:s19] =	ssyncset.done $0x0  }
0x345: {  	[sflag:s19] =	ssyncadd.s32 $0xFFFFE700  }
0x346: {  	_ =	swait.ge [sflag:s19], $0x1900  }
0x347: {  	[sflag:s19] =	ssyncset.done $0x0  }
0x348: {  	[sflag:s19] =	ssyncadd.s32 $0xFFFFE700  }
0x349: {  	_ =	swait.ge [sflag:s19], $0x1900  }
0x34a: {  	[sflag:s19] =	ssyncset.done $0x0  }
0x34b: {  	[sflag:s19] =	ssyncadd.s32 $0xFFFFE700  }
0x34c: {  	_ =	swait.ge [sflag:s1], $0x400  }
0x34d: {  	[sflag:s1] =	ssyncset.done $0x0  }
0x34e: {  	[sflag:s1] =	ssyncadd.s32 $0xFFFFFC00  }
0x34f: {  	_ =	swait.ge [sflag:s0], $0xE000  }
0x350: {  	s30 =	rddreg [dreg:$0x8]  }
0x351: {  	s31 =	rddreg [dreg:$0x7];
	s8 =	sadd.s32 $0x1, s30  }
0x352: {  	p0 =	sne.s32 s8, s31  }
.Ltmp3:
0x353: {  	_ = 	snop;
	(pc) =	sbr.rel @p0 .LBB2_1-.Ltmp3, $3  }
0x354: {  	_ =	sdelay $0x1  }
0x355: {  	[sflag:s0] =	ssyncset.done $0x0  }
0x356: {  	[sflag:s0] =	ssyncadd.s32 $0xFFFF2000  }
0x357: {  	_ =	sfence.sel $0x180000  }
0x358: {  	[bflag:$0x0] =	sbarrier.arrive $0xFFFF  }
0x359: {  	_ =	strace $0x90000047  }
0x35a: {  	s0 =	stileid.u32;
	[bflag:$0x2] =	sbarrier.arrive $0xFFFF  }
0x35b: {  	p0 =	sne.s32 s0, $0x0;
	s0 =	rddreg [dreg:$0x2]  }
0x35c: {  	s0 =	sadd.s32 @!p0 $0x100000, s0  }
0x35d: {  	[sflag:s0] =	ssyncadd.tile.s32 @!p0 $0x1;
	_ =	shalt  }
.Lfunc_end2:
_tile_overlayer_lowered:
.L_overlay_start_2:
0x35e: {  	(tag) =	ssettag $0x2  }
0x35f: {  	s0 =	rddreg [dreg:$0x0];
	s2 =	stileid.u32  }
0x360: {  	s1 =	rddreg [dreg:$0x1];
	p0 =	sne.s32 s2, $0x0  }
0x361: {  	s3 =	rddreg [dreg:$0x2];
	[bflag:$0x3] =	sbarrier.arrive $0xFFFF;
	s2 =	simm.s32 @!p0 $0x1C07  }
0x362: {  	[timem:s3], [sflag:s2] =	dma.local @!p0 [hbm:s0], s1  }
0x363: {  	s0 =	simm.s32 @!p0 $0x7  }
0x364: {  	_ =	swait.ge @!p0 [sflag:s0], s1  }
0x365: {  	s1 =	ssub.s32 @!p0 $0x0, s1;
	[sflag:s0] =	ssyncset.done @!p0 $0x0  }
0x366: {  	[sflag:s0] =	ssyncadd.s32 @!p0 s1  }
0x367: {  	[bflag:$0x3] =	sbarrier.arrive $0xFFFF  }
0x368: {  	_ =	shalt  }

// kernel: sparse-core-data-format-call.cloned.1.call-start
scs
called_computation_lowered:
.L_overlay_start_0:
0x0: {  	s2 =	sld [smem:$0x3FD9]  }
0x1: {  	s3 =	sld [smem:$0x3FFE];
	_ =	sdelay $0x1  }
0x2: {  	s1 =	srdreg.scid  }
0x3: {  	s0 =	sand.u32 $0x1, s1  }
0x4: {  	s15 =	sshll.u32 s0, $0xA;
	s2 =	sadd.s32 s3, s2  }
0x5: {  	s2 =	sadd.s32 s2, s15  }
0x6: {  	[smem:$0x3FC4] =	sst s2  }
0x7: {  	_ = 	snop  }
0x8: {  	s2 =	sld [smem:$0x3FD0];
	_ =	sdelay $0x2  }
0x9: {  	s16 =	simm.s32 $0xA;
	s4 =	simm.s32 $0x10  }
0xa: {  	[smem:s4], [sflag:s16] =	dma.local [hbm:s2], $0x1  }
0xb: {  	_ =	swait.eq [sflag:s16], $0x1  }
0xc: {  	[sflag:s16] =	ssyncset.done $0x0  }
0xd: {  	[sflag:s16] =	ssyncadd.s32 $0xFFFFFFFF  }
0xe: {  	s17 =	sld [smem:$0x10];
	(tm) =	ssettm $0x1  }
0xf: {  	s18 =	sld [smem:$0x3FFB];
	_ =	sdelay $0x3  }
0x10: {  	_ =	strace s18  }
0x11: {  	s3 =	sld [smem:$0x3FFC];
	_ =	sdelay $0x3  }
0x12: {  	_ =	strace s3  }
0x13: {  	s3 =	sld [smem:$0x3FFD];
	_ =	sdelay $0x3  }
0x14: {  	_ =	strace s3  }
0x15: {  	_ =	strace $0x8FFFFFFF  }
0x16: {  	s19 =	sld [smem:$0x3FDB];
	_ =	sdelay $0x1  }
0x17: {  	s20 =	simm.s32 $_scs_section_size  }
0x18: {  	s5 =	simm.s32 $_size__tile_overlayer_lowered;
	s6 =	simm.s32 $_tile_overlayer_lowered  }
0x19: {  	s23 =	simm.s32 $0x1BFF;
	s22 =	sshll.u32 s6, $0x1;
	s3 =	sadd.s32 s20, s19  }
0x1a: {  	s7 =	simm.s32 $0x0;
	s21 =	sshll.u32 s5, $0x1;
	s5 =	sadd.s32 s22, s3  }
0x1b: {  	[timem:s7], [sflag:s23] =	dma.local [hbm:s5], s21  }
0x1c: {  	_ =	swait.ge [sflag:s23], s21  }
0x1d: {  	s4 =	ssub.s32 $0x0, s21;
	[sflag:s23] =	ssyncset.done $0x0  }
0x1e: {  	[sflag:s23] =	ssyncadd.s32 s4;
	_ =	sdelay $0x1  }
0x1f: {  	s24 =	simm.s32 $0x1B8B  }
0x20: {  	_ =	swait.ge [sflag:s24], $0x1  }
0x21: {  	[sflag:s24] =	ssyncset.done $0x0  }
0x22: {  	s26 =	simm.s32 $0x1B8E;
	s25 =	sld [smem:$0x3FFE];
	[sflag:s24] =	ssyncadd.s32 $0xFFFFFFFF  }
0x23: {  	s27 =	simm.s32 $execute0_lowered;
	[smem:$0x3FD2] =	sst s26  }
0x24: {  	s5 =	sshll.u32 s27, $0x1;
	_ =	strace $0x80000049;
	[dreg:$0x1] =	wrdreg $0xFFFFFFFF  }
0x25: {  	s28 =	simm.s32 $_size_execute0_lowered;
	s3 =	sadd.s32 s3, s5;
	[dreg:$0x0] =	wrdreg $0x0  }
0x26: {  	s5 =	sshll.u32 s28, $0x1;
	[dreg:$0x2] =	wrdreg s3  }
0x27: {  	[dreg:$0x3] =	wrdreg s5  }
0x28: {  	[dreg:$0x4] =	wrdreg $0xC0  }
0x29: {  	_ =	task [dreg:s7], $0x5FFFF  }
0x2a: {  	[dreg:$0x1] =	wrdreg $0xFFFFFFFF  }
0x2b: {  	[dreg:$0x0] =	wrdreg $0x60  }
0x2c: {  	[dreg:$0x2] =	wrdreg s25  }
0x2d: {  	[dreg:$0x3] =	wrdreg s17  }
0x2e: {  	[dreg:$0x4] =	wrdreg $0x9  }
0x2f: {  	_ =	task.clear_ibuf [dreg:s7], $0x5FFFF;
	_ =	strace $0x90000049  }
0x30: {  	s29 =	simm.s32 $0x9;
	_ =	strace $0x8000004B  }
0x31: {  	_ =	swait.ge [sflag:s29], $0x1  }
0x32: {  	[sflag:s29] =	ssyncadd.s32 $0xFFFFFFFF  }
0x33: {  	_ =	strace $0x9000004B  }
0x34: {  	_ =	sfence  }
0x35: {  	s30 =	sld [smem:$0x0];
	_ =	sdelay $0x2  }
0x36: {  	s31 =	sshll.u32 s1, $0xD;
	s1 =	sshrl.u32 s1, $0x2  }
0x37: {  	s3 =	sand.u32 $0x4000, s31;
	s1 =	sadd.s32 s1, s30  }
0x38: {  	s0 =	sor.u32 s3, s0;
	s1 =	sshll.u32 s1, $0x11  }
0x39: {  	s0 =	sor.u32 s1, s0  }
0x3a: {  	s0 =	sadd.s32 $0x8F2B, s0  }
0x3b: {  	[sflag:s0] =	ssyncadd.remote.s32 $0x1  }
0x3c: {  	_ =	sfence.sel $0xFFFF  }
0x3d: {  	[dreg:$0x0] =	wrdreg $0xFFFFFFFF;
	(pc) =	sbr.abs _section_cstart, $3  }
0x3e: {  	[dreg:$0x1] =	wrdreg $0xFFFFFFFF  }
0x3f: {  	_ =	task.clear_ibuf [dreg:s7], $0x2FFFF;
	_ =	strace $0x9FFFFFFF  }
0x40: {  	(tm) =	ssettm $0x7FFFFFFF  }
0x41: {  	_ =	shalt  }
tec
execute0_lowered:
.L_overlay_start_1:
0x0: {  	(tag) =	ssettag $0x1  }
0x1: {  	s4 =	rddreg [dreg:$0x0]  }
0x2: {  	s0 =	stileid.u32;
	s2 =	rddreg [dreg:$0x1]  }
0x3: {  	s7 =	srdreg.scid;
	s31 =	simm.s32 $0x2;
	s17 =	simm.s32 $0x0  }
0x4: {  	s9 =	simm.s32 $0x2000;
	s19 =	simm.s32 $0x0;
	s18 =	simm.s32 $0x0  }
0x5: {  	s10 =	simm.s32 $0x0;
	s11 =	simm.s32 $0x0;
	s1 =	sshll.u32 s0, $0x7  }
0x6: {  	s12 =	simm.s32 $0x0;
	s14 =	simm.s32 $0x0;
	s3 =	sand.u32 $0x380, s1  }
0x7: {  	s16 =	simm.s32 $0x0;
	s4 =	sadd.s32 $0x20400, s4;
	s5 =	ssub.s32 $0x400, s3  }
0x8: {  	s8 =	sshll.u32 s0, $0x4;
	s7 =	sshll.u32 s7, $0x8;
	s6 =	sand.u32 $0x380, s5  }
0x9: {  	s1 =	rddreg [dreg:$0x2];
	p0 =	sne.s32 s6, $0x0;
	s6 =	simm.s32 $0x1  }
.Ltmp0:
0xa: {  	s5 =	sshrl.u32 s5, $0xA;
	s6 =	simm.s32 @!p0 $0x0;
	(pc) =	sbr.rel .LBB1_1-.Ltmp0, $4  }
0xb: {  	_ =	strace $0x8000004A;
	s7 =	sor.u32 s8, s7;
	s6 =	sadd.s32 s6, s5  }
0xc: {  	s7 =	sand.u32 $0x180, s7;
	s5 =	simm.s32 $0x1;
	s6 =	smul.u32 $0x64, s6  }
0xd: {  	s15 =	smov.u32 s3;
	s13 =	smov.u32 s7;
	[sflag:s5] =	ssyncpa.u1 $0x0  }
0xe: {  	p0 =	por $0x0, $0x0;
	[sflag:s31] =	ssyncpa.u1 $0x0;
	s8 =	sor.u32 $0x1, s6  }
.LBB1_4:
0xf: {  	s25 =	sshll.u32 s10, $0xA;
	s24 =	sshra.s32 s24, $0x2;
	s26 =	sshll.u32 s12, $0x3  }
0x10: {  	p1 =	sgt.s32 s11, $0x31;
	s27 =	smov.u32 s11;
	s28 =	sshra.s32 s11, $0x1F  }
0x11: {  	p2 =	sgt.s32 s12, $0x380;
	s31 =	sshra.s32 s12, $0x1F;
	s25 =	sand.u32 $0xFFFFE000, s25  }
0x12: {  	s26 =	sand.u32 $0xFFFFFC00, s26;
	s27 =	simm.s32 @!p1 $0x31;
	s28 =	sand.u32 s28, s11  }
0x13: {  	[tilespmem:s22+$0x2040 ss:$0x81] =	vst.msk $0xffff, v4;
	s23 =	sadd.s32 s24, s23;
	s29 =	sadd.s32 s26, s25;
	s25 =	ssub.s32 s27, s28  }
0x14: {  	[tilespmem:s22+$0x2850 ss:$0x81] =	vst.msk $0xffff, v3;
	s27 =	smov.u32 s12;
	s28 =	smov.u32 s10;
	s26 =	sand.u32 s31, s12  }
0x15: {  	[tilespmem:s22+$0x3060 ss:$0x81] =	vst.msk $0xffff, v2;
	s24 =	sshrl.u32 s29, $0xA;
	s30 =	sadd.s32 $0xFFFFFFCF, s25;
	s27 =	simm.s32 @!p2 $0x380  }
0x16: {  	v5 =	vld [tilespmem:s21+$0xFFFFFFD0];
	[tilespmem:s22+$0x0 ss:$0x81] =	vst.msk $0xffff, v1;
	p2 =	sgt.s32 s10, $0x368;
	s29 =	sshra.s32 s10, $0x1F;
	s22 =	ssub.s32 $0x32, s25  }
0x17: {  	v58 =	vld [tilespmem:s21+$0xFFFFFFE0];
	p1 =	sgt.s32 s30, $0x0;
	s28 =	simm.s32 @!p2 $0x368;
	s29 =	sand.u32 s29, s10  }
0x18: {  	v59 =	vld [tilespmem:s21+$0xFFFFFFF0];
	s26 =	ssub.s32 s27, s26;
	s27 =	smulhi.u32 $0x418938, s24;
	s28 =	ssub.s32 s28, s29  }
0x19: {  	v60 =	vld [tilespmem:s21+$0x0];
	s30 =	sadd.s32 $0xFFFFFC80, s26;
	s25 =	ssub.s32 $0x400, s26;
	s22 =	simm.s32 @p1 $0x0  }
0x1a: {  	v61 =	vld [tilespmem:s21+$0x10];
	[tilespmem:s23+$0x3870 ss:$0x81] =	vst.msk $0xffff, v0;
	s29 =	sand.u32 $0x78, s12;
	p2 =	sgt.s32 s30, $0x7F;
	s31 =	sadd.s32 $0xFFFFFC98, s28  }
0x1b: {  	v62 =	vld [tilespmem:s21+$0x20];
	[tilespmem:s23+$0x810 ss:$0x81] =	vst.msk $0xffff, v5;
	s27 =	smul.u32 $0x3E8, s27;
	s30 =	sshll.u32 s10, $0x7;
	s28 =	ssub.s32 $0x3E8, s28  }
0x1c: {  	v63 =	vld [tilespmem:s21+$0xFFFFFFC0];
	[tilespmem:s23+$0x1020 ss:$0x81] =	vst.msk $0xffff, v58;
	s25 =	simm.s32 @p2 $0x0;
	p1 =	sgt.s32 s31, $0x7F;
	s31 =	smul.u32 $0x1F400, s11  }
0x1d: {  	[tilespmem:s23+$0x1830 ss:$0x81] =	vst.msk $0xffff, v59;
	s21 =	sand.u32 $0x380, s30;
	s22 =	smul.u32 s25, s22;
	s28 =	simm.s32 @p1 $0x0  }
0x1e: {  	[tilespmem:s23+$0x2040 ss:$0x81] =	vst.msk $0xffff, v60;
	s21 =	sor.u32 s29, s21;
	s24 =	ssub.s32 s24, s27;
	s29 =	sand.u32 $0x7, s12  }
0x1f: {  	[tilespmem:s23+$0x2850 ss:$0x81] =	vst.msk $0xffff, v61;
	s21 =	sshrl.u32 s21, $0x3;
	s25 =	sadd.s32 s2, s31;
	s22 =	smul.u32 s28, s22  }
0x20: {  	[tilespmem:s23+$0x3060 ss:$0x81] =	vst.msk $0xffff, v62;
	s24 =	sshll.u32 s24, $0x7;
	s30 =	sshll.u32 s29, $0x12;
	s21 =	sadd.s32 s21, s25  }
0x21: {  	[tilespmem:s23+$0x0 ss:$0x81] =	vst.msk $0xffff, v63;
	s31 =	sor.u32 $0x400, s30;
	s21 =	sadd.s32 s24, s21;
	s22 =	sand.u32 $0x3FFFFFFF, s22  }
0x22: {  	[hbm4b:s21+s31] =	stream.strided.scatter [tilespmem:s20], [sflag:$0x2], s22, s9, s31, $0x20;
	[tilespmem:$0x10100] =	vst v63  }
.LBB1_5:
0x23: {  	p1 =	slt.u32 s16, $0x2  }
0x24: {  	p2 =	sgt.s32 @!p1 s19, $0x31  }
0x25: {  	s20 =	smov.u32 s19;
	s21 =	sshra.s32 @!p1 s19, $0x1F;
	p2 =	por !p2, p1  }
0x26: {  	s19 =	sand.u32 @!p1 s21, s19;
	s20 =	simm.s32 @p2 $0x31  }
0x27: {  	p3 =	sgt.s32 @!p1 s17, $0x368;
	s19 =	ssub.s32 @!p1 s20, s19  }
0x28: {  	p4 =	sgt.s32 @!p1 s18, $0x380;
	s22 =	sshra.s32 @!p1 s18, $0x1F;
	s20 =	sadd.s32 @!p1 $0xFFFFFFCF, s19  }
0x29: {  	s21 =	smov.u32 s17;
	p2 =	sgt.s32 @!p1 s20, $0x0;
	s20 =	sshra.s32 @!p1 s17, $0x1F  }
0x2a: {  	p4 =	por !p4, p1;
	s17 =	sand.u32 @!p1 s20, s17;
	s20 =	smov.u32 s18  }
0x2b: {  	p3 =	por !p3, p1;
	s18 =	sand.u32 @!p1 s22, s18;
	s20 =	simm.s32 @p4 $0x380  }
0x2c: {  	s21 =	simm.s32 @p3 $0x368;
	s19 =	ssub.s32 @!p1 $0x32, s19;
	s18 =	ssub.s32 @!p1 s20, s18  }
0x2d: {  	p2 =	por !p2, p1;
	s17 =	ssub.s32 @!p1 s21, s17;
	s21 =	sadd.s32 @!p1 $0xFFFFFC80, s18  }
0x2e: {  	s19 =	simm.s32 @!p2 $0x0;
	p3 =	sgt.s32 @!p1 s21, $0x7F  }
0x2f: {  	s20 =	sadd.s32 @!p1 $0xFFFFFC98, s17;
	s18 =	ssub.s32 @!p1 $0x400, s18;
	p3 =	por !p3, p1  }
0x30: {  	p2 =	sgt.s32 @!p1 s20, $0x7F;
	s20 =	sadd.s32 $0x200, s13;
	s18 =	simm.s32 @!p3 $0x0  }
0x31: {  	p3 =	sgt.s32 s20, $0x3E7;
	s18 =	smul.u32 @!p1 s18, s19;
	s19 =	simm.s32 $0x1  }
0x32: {  	s17 =	ssub.s32 @!p1 $0x3E8, s17;
	p2 =	por !p2, p1;
	s19 =	simm.s32 @!p3 $0x0  }
0x33: {  	s22 =	smov.u32 s15;
	s17 =	simm.s32 @!p2 $0x0;
	s21 =	sadd.s32 s19, s14  }
0x34: {  	s17 =	smul.u32 @!p1 s17, s18;
	s18 =	sadd.s32 $0x400, s15;
	p2 =	sgt.s32 s21, $0x31  }
0x35: {  	p0 =	por !p0, !p0;
	s23 =	simm.s32 @!p1 $0x2;
	s22 =	smov.u32 @p2 s18  }
0x36: {  	s20 =	smov.u32 @p3 s7;
	s21 =	simm.s32 @p2 $0x0;
	p2 =	sgt.s32 s22, $0x3FF  }
0x37: {  	s19 =	smov.u32 s11;
	s22 =	smov.u32 @p2 s3;
	p2 =	sne.s32 s16, s8  }
.Ltmp1:
0x38: {  	s11 =	smov.u32 s14;
	s17 =	sand.u32 @!p1 $0x3FFFFFFF, s17;
	(pc) =	sbr.rel @!p2 .LBB1_6-.Ltmp1, $4  }
0x39: {  	s18 =	smov.u32 s12;
	s12 =	smov.u32 s15;
	_ =	swait.ge @!p1 [sflag:s23], s17  }
0x3a: {  	s24 =	ssub.s32 @!p1 $0x0, s17;
	s17 =	smov.u32 s10;
	s10 =	smov.u32 s13  }
0x3b: {  	s13 =	smov.u32 s20;
	s14 =	smov.u32 s21;
	[sflag:s23] =	ssyncset.done @!p1 $0x0  }
0x3c: {  	s16 =	sadd.s32 $0x1, s16;
	[sflag:s23] =	ssyncadd.s32 @!p1 s24;
	s15 =	smov.u32 s22  }
.LBB1_1:
0x3d: {  	p1 =	sge.u32 s16, s6  }
0x3e: {  	s20 =	sshll.u32 @!p1 s14, $0xA  }
0x3f: {  	s21 =	sshll.u32 @!p1 s13, $0x3;
	s20 =	sand.u32 @!p1 $0xFFFFE000, s20  }
0x40: {  	s20 =	sadd.s32 @!p1 s20, s21  }
0x41: {  	s20 =	sshrl.u32 @!p1 s20, $0xA  }
0x42: {  	s21 =	smulhi.u32 @!p1 $0x4924925, s20  }
0x43: {  	s22 =	sshll.u32 @!p1 s14, $0x7;
	s24 =	smul.u32 @!p1 $0x1C00, s15  }
0x44: {  	s23 =	sand.u32 @!p1 $0x78, s13;
	s22 =	sand.u32 @!p1 $0x380, s22;
	s21 =	smul.u32 @!p1 $0x38, s21  }
0x45: {  	s31 =	sadd.s32 $0xFFFFFFFF, s16;
	s22 =	sor.u32 @!p1 s23, s22;
	s23 =	sadd.s32 @!p1 s4, s24  }
0x46: {  	s22 =	sshrl.u32 @!p1 s22, $0x3;
	s20 =	ssub.s32 @!p1 s20, s21;
	s21 =	sxor.u32 @!p1 $0xFFFFFFFF, s16  }
0x47: {  	s22 =	sadd.s32 @!p1 s22, s23;
	s23 =	sand.u32 @!p1 $0x7, s13;
	s21 =	sshll.u32 @!p1 s21, $0xE  }
0x48: {  	s23 =	sshll.u32 @!p1 s23, $0x12;
	s20 =	sshll.u32 @!p1 s20, $0x7;
	s21 =	sand.u32 @!p1 $0x4000, s21  }
0x49: {  	s20 =	sadd.s32 @!p1 s20, s22;
	s22 =	sor.u32 @!p1 $0x80, s23;
	s23 =	simm.s32 @!p1 $0xE000  }
0x4a: {  	[tilespmem:s21], [sflag:$0x1] =	stream.strided.gather @!p1 [hbm4b:s20+s22], $0x4000, s23, s22, $0x38;
	[tilespmem:$0x10100] =	vst v63  }
0x4b: {  	p1 =	sge.u32 s31, s6  }
.Ltmp2:
0x4c: {  	_ = 	snop;
	(pc) =	sbr.rel @p1 .LBB1_5-.Ltmp2, $1  }
0x4d: {  	_ =	sdelay $0x3  }
0x4e: {  	s20 =	simm.s32 $0x1  }
0x4f: {  	_ =	swait.ge [sflag:s5], $0x4000;
	s20 =	simm.s32 @!p0 $0x0  }
0x50: {  	[sflag:s5] =	ssyncset.done $0x0;
	s21 =	sshll.u32 s20, $0xE  }
0x51: {  	[sflag:s5] =	ssyncadd.s32 $0xFFFFC000;
	s21 =	sor.u32 $0x40, s21  }
0x52: {  	s20 =	smul.u32 $0x10200, s20;
	v0 =	vld [tilespmem:s21+$0x30]  }
0x53: {  	v1 =	vld [tilespmem:s21+$0xFFFFFFD0]  }
0x54: {  	s20 =	sshrl.u32 s20, $0x2;
	v5 =	vld [tilespmem:s21+$0xFFFFFFE0]  }
0x55: {  	v6 =	vld [tilespmem:s21+$0xFFFFFFF0];
	s23 =	sor.u32 $0x8000, s20  }
0x56: {  	s31 =	sand.u32 $0x1, s16;
	v4 =	vld [tilespmem:s21+$0x0];
	s22 =	sadd.s32 $0x0, s23  }
0x57: {  	v3 =	vld [tilespmem:s21+$0x10];
	s20 =	smul.u32 $0x10200, s31;
	[tilespmem:s22+$0x3870 ss:$0x81] =	vst.msk $0xffff, v0  }
0x58: {  	v2 =	vld [tilespmem:s21+$0x20];
	[tilespmem:s22+$0x810 ss:$0x81] =	vst.msk $0xffff, v1  }
0x59: {  	s20 =	sshrl.u32 s20, $0x2;
	v1 =	vld [tilespmem:s21+$0xFFFFFFC0];
	[tilespmem:s22+$0x1020 ss:$0x81] =	vst.msk $0xffff, v5;
	s21 =	sadd.s32 $0x80, s21  }
0x5a: {  	s24 =	simm.s32 $0x4;
	s25 =	simm.s32 $0x8;
	s20 =	sor.u32 $0x8000, s20;
	[tilespmem:s22+$0x1830 ss:$0x81] =	vst.msk $0xffff, v6;
	v0 =	vld [tilespmem:s21+$0x30]  }
.LBB1_3:
0x5b: {  	p1 =	sne.s32 s25, $0x1FC;
	v5 =	vld [tilespmem:s21+$0xFFFFFFD0];
	[tilespmem:s22+$0x2040 ss:$0x81] =	vst.msk $0xffff, v4  }
0x5c: {  	v6 =	vld [tilespmem:s21+$0xFFFFFFE0];
	[tilespmem:s22+$0x2850 ss:$0x81] =	vst.msk $0xffff, v3  }
0x5d: {  	s26 =	sshra.s32 s24, $0x2;
	s24 =	smov.u32 s25;
	v7 =	vld [tilespmem:s21+$0xFFFFFFF0];
	[tilespmem:s22+$0x3060 ss:$0x81] =	vst.msk $0xffff, v2  }
.Ltmp3:
0x5e: {  	v4 =	vld [tilespmem:s21+$0x0];
	[tilespmem:s22+$0x0 ss:$0x81] =	vst.msk $0xffff, v1;
	s22 =	sadd.s32 s26, s23;
	(pc) =	sbr.rel @p1 .LBB1_3-.Ltmp3, $4  }
0x5f: {  	v3 =	vld [tilespmem:s21+$0x10];
	[tilespmem:s22+$0x3870 ss:$0x81] =	vst.msk $0xffff, v0  }
0x60: {  	[tilespmem:s22+$0x810 ss:$0x81] =	vst.msk $0xffff, v5;
	v2 =	vld [tilespmem:s21+$0x20]  }
0x61: {  	v1 =	vld [tilespmem:s21+$0xFFFFFFC0];
	[tilespmem:s22+$0x1020 ss:$0x81] =	vst.msk $0xffff, v6;
	s21 =	sadd.s32 $0x80, s21  }
0x62: {  	s25 =	sadd.s32 $0x4, s25;
	v0 =	vld [tilespmem:s21+$0x30];
	[tilespmem:s22+$0x1830 ss:$0x81] =	vst.msk $0xffff, v7  }
.Ltmp4:
0x63: {  	_ = 	snop;
	(pc) =	sbr.rel .LBB1_4-.Ltmp4, $1  }
0x64: {  	_ =	sdelay $0x3  }
.LBB1_6:
0x65: {  	_ =	sfence.sel $0x180000  }
0x66: {  	s2 =	simm.s32 $0x1;
	[bflag:$0x0] =	sbarrier.arrive $0xFFFF  }
0x67: {  	s31 =	simm.s32 $0x2;
	[sflag:s2] =	ssyncpa.u1 $0x1  }
0x68: {  	[sflag:s31] =	ssyncpa.u1 $0x1  }
0x69: {  	p0 =	sne.s32 s0, $0x0;
	_ =	strace $0x9000004A  }
0x6a: {  	s0 =	sadd.s32 @!p0 $0x100000, s1;
	[bflag:$0x2] =	sbarrier.arrive $0xFFFF  }
0x6b: {  	[sflag:s0] =	ssyncadd.tile.s32 @!p0 $0x1;
	_ =	shalt  }
.Lfunc_end1:
_tile_overlayer_lowered:
.L_overlay_start_2:
0x6c: {  	(tag) =	ssettag $0x2  }
0x6d: {  	s0 =	rddreg [dreg:$0x0];
	s2 =	stileid.u32  }
0x6e: {  	s1 =	rddreg [dreg:$0x1];
	p0 =	sne.s32 s2, $0x0  }
0x6f: {  	s3 =	rddreg [dreg:$0x2];
	[bflag:$0x3] =	sbarrier.arrive $0xFFFF;
	s2 =	simm.s32 @!p0 $0x1C01  }
0x70: {  	[timem:s3], [sflag:s2] =	dma.local @!p0 [hbm:s0], s1  }
0x71: {  	s0 =	simm.s32 @!p0 $0x1  }
0x72: {  	_ =	swait.ge @!p0 [sflag:s0], s1  }
0x73: {  	s1 =	ssub.s32 @!p0 $0x0, s1;
	[sflag:s0] =	ssyncset.done @!p0 $0x0  }
0x74: {  	[sflag:s0] =	ssyncadd.s32 @!p0 s1  }
0x75: {  	[bflag:$0x3] =	sbarrier.arrive $0xFFFF  }
0x76: {  	_ =	shalt  }

</sc_bundles>
